<compile_context>
chip_gen: v7x
topology: tpu7x:2x2x1
jax: 0.10.2.dev20260603
libtpu: 0.0.44.dev20260713+nightly
codegen_flags: <defaults>
</compile_context>

<pallas_src>
import functools

import jax
import jax.numpy as jnp
from jax import lax
from jax.experimental import pallas as pl
from jax.experimental.pallas import tpu as pltpu
from jax.experimental.pallas import tpu_sc as plsc

VOCAB = 100000
D_MODEL = 128
BATCH = 4096
SEQ = 200

_BF = BATCH * SEQ
_NC, _NS = 2, 16
_NW = _NC * _NS
_BPW = _BF // _NW
_CHUNK = 200
_NCHUNK = _BPW // _CHUNK
_NBUF = 2

_mesh = plsc.VectorSubcoreMesh(core_axis_name="c", subcore_axis_name="s")


@functools.partial(
    pl.kernel,
    out_type=jax.ShapeDtypeStruct((_BF, D_MODEL), jnp.float32),
    mesh=_mesh,
    scratch_types=[
        [pltpu.VMEM((_CHUNK,), jnp.int32)] * _NBUF,
        [pltpu.VMEM((_CHUNK, D_MODEL), jnp.float32)] * _NBUF,
        pltpu.VMEM_SHARED((_NS * _NBUF, _CHUNK, D_MODEL), jnp.float32),
        [pltpu.SemaphoreType.DMA] * _NBUF,
        [pltpu.SemaphoreType.DMA] * _NBUF,
    ],
)
def _gather_rows(idx_hbm, table_hbm, out_hbm, idx_v, rows_v, sp, gsem, ssem):
    cid = lax.axis_index("c")
    sid = lax.axis_index("s")
    wid = sid * _NC + cid
    base = wid * _BPW

    def start_gather(b, chunk):
        off = base + chunk * _CHUNK
        pltpu.sync_copy(idx_hbm.at[pl.ds(off, _CHUNK)], idx_v[b])
        pltpu.async_copy(table_hbm.at[idx_v[b]], rows_v[b], gsem[b])

    def wait_gather(b):
        pltpu.make_async_copy(table_hbm.at[idx_v[b]], rows_v[b],
                              gsem[b]).wait()

    def slot(b):
        return sp.at[sid * _NBUF + b]

    def start_store(b, chunk):
        off = base + chunk * _CHUNK
        pltpu.sync_copy(rows_v[b], slot(b))
        pltpu.async_copy(slot(b), out_hbm.at[pl.ds(off, _CHUNK)], ssem[b])

    def wait_store(b, chunk):
        off = base + chunk * _CHUNK
        pltpu.make_async_copy(slot(b), out_hbm.at[pl.ds(off, _CHUNK)],
                              ssem[b]).wait()

    for b in range(_NBUF):
        start_gather(b, b)

    for b in range(_NBUF):
        wait_gather(b)
        start_store(b, b)
        start_gather(b, _NBUF + b)

    @pl.loop(_NBUF, _NCHUNK - _NBUF, step=_NBUF)
    def _group(i0):
        for b in range(_NBUF):
            wait_gather(b)
            wait_store(b, i0 - _NBUF + b)
            start_store(b, i0 + b)
            start_gather(b, i0 + _NBUF + b)

    for b in range(_NBUF):
        wait_gather(b)
        wait_store(b, _NCHUNK - 2 * _NBUF + b)
        start_store(b, _NCHUNK - _NBUF + b)
    for b in range(_NBUF):
        wait_store(b, _NCHUNK - _NBUF + b)


def kernel(x, table):
    flat = _gather_rows(x.reshape(_BF), table)
    return flat.reshape(BATCH, SEQ, D_MODEL)

# --- scband reference (transcript-rebuilt; emitter-appended) ---
"""Pipeline reference for scband-sentence-embedding-72533407694865 (READ-ONLY COPY).

The authoritative reference and input builder live on the scoring server;
editing this copy changes nothing except your own understanding.
"""

import jax, jax.numpy as jnp
import numpy as np

VOCAB = 100000
D_MODEL = 128
PAD_IDX = 0
BATCH = 4096
SEQ = 200

def setup_inputs(seed: int = 0) -> dict:
    key = jax.random.key(seed)
    k_x, k_w = jax.random.split(key)
    x = jax.random.randint(k_x, (BATCH, SEQ), 0, VOCAB, dtype=jnp.int64 if jax.config.jax_enable_x64 else jnp.int32)
    x = x.astype(jnp.int32)
    table = jax.random.normal(k_w, (VOCAB, D_MODEL), dtype=jnp.float32)
    # nn.Embedding with padding_idx zero-initializes the pad row
    table = table.at[PAD_IDX].set(0.0)
    return {"x": x, "table": table}

def reference(x, table):
    # Faithful to eval-mode forward: dropout is identity at inference.
    # padding_idx semantics: the pad row contributes zeros.
    emb = table.at[PAD_IDX].set(0.0)
    out = jnp.take(emb, x, axis=0)  # gather -> [B, S, d_model]
    return out

if __name__ == "__main__":
    import jax
    _d = setup_inputs()
    print(jax.jit(kernel)(*tuple(_d.values())))

</pallas_src>

<mosaic_0001>
#map = affine_map<(d0, d1) -> (0)>
#map1 = affine_map<(d0, d1) -> (0, 0)>
module attributes {stable_mosaic.version = 14 : i64} {
  func.func @_gather_rows(%arg0: i32, %arg1: i32, %arg2: memref<819200xi32, #tpu.memory_space<hbm>>, %arg3: memref<100000x128xf32, #tpu.memory_space<hbm>>, %arg4: memref<819200x128xf32, #tpu.memory_space<hbm>>, %arg5: memref<200xi32, #tpu.memory_space<vmem>>, %arg6: memref<200xi32, #tpu.memory_space<vmem>>, %arg7: memref<200x128xf32, #tpu.memory_space<vmem>>, %arg8: memref<200x128xf32, #tpu.memory_space<vmem>>, %arg9: memref<32x200x128xf32, #tpu.memory_space<vmem_shared>>, %arg10: memref<!tpu.dma_semaphore, #tpu.memory_space<semaphore_mem>>, %arg11: memref<!tpu.dma_semaphore, #tpu.memory_space<semaphore_mem>>, %arg12: memref<!tpu.dma_semaphore, #tpu.memory_space<semaphore_mem>>, %arg13: memref<!tpu.dma_semaphore, #tpu.memory_space<semaphore_mem>>) attributes {dimension_semantics = [#tpu.dimension_semantics<core_parallel>, #tpu.dimension_semantics<subcore_parallel>], iteration_bounds = array<i64: 2, 16>, scalar_prefetch = 0 : i64, scratch_operands = 9 : i64, tpu.core_type = #tpu.core_type<sc_vector_subcore>, window_params = [{transform_indices = #map}, {transform_indices = #map1}, {transform_indices = #map1}]} {
    %mul3A = arith.constant 2 : i32
    %mul3A_0 = arith.muli %arg1, %mul3A : i32
    %add3A = arith.addi %mul3A_0, %arg0 : i32
    %mul3A_1 = arith.constant 25600 : i32
    %mul3A_2 = arith.muli %add3A, %mul3A_1 : i32
    %add3A_3 = arith.constant 0 : i32
    %add3A_4 = arith.addi %mul3A_2, %add3A_3 : i32
    "tpu.region"() ({
      %run_scoped3A = tpu.sem_alloc : memref<!tpu.dma_semaphore, #tpu.memory_space<semaphore_mem>>
      %dma_start3A_149 = tpu.memref_slice %arg2[%add3A_4] : memref<819200xi32, #tpu.memory_space<hbm>> -> memref<200xi32, #tpu.memory_space<hbm>>
      %dma_start3A_150 = tpu.memref_slice %arg2[%add3A_4] : memref<819200xi32, #tpu.memory_space<hbm>> -> memref<200xi32, #tpu.memory_space<hbm>>
      tpu.enqueue_dma source(%dma_start3A_150 : memref<200xi32, #tpu.memory_space<hbm>>) target(%arg5 : memref<200xi32, #tpu.memory_space<vmem>>) target_semaphore(%run_scoped3A : memref<!tpu.dma_semaphore, #tpu.memory_space<semaphore_mem>>)
      %dma_wait3A_151 = tpu.memref_slice %arg2[%add3A_4] : memref<819200xi32, #tpu.memory_space<hbm>> -> memref<200xi32, #tpu.memory_space<hbm>>
      %dma_wait3A_152 = tpu.memref_slice %arg2[%add3A_4] : memref<819200xi32, #tpu.memory_space<hbm>> -> memref<200xi32, #tpu.memory_space<hbm>>
      tpu.wait_dma2 semaphore(%run_scoped3A : memref<!tpu.dma_semaphore, #tpu.memory_space<semaphore_mem>>) src(%dma_wait3A_152 : memref<200xi32, #tpu.memory_space<hbm>>) dst(%arg5 : memref<200xi32, #tpu.memory_space<vmem>>)
      tpu.yield
    }) : () -> ()
    %dma_start3A = arith.constant 0 : i32
    %dma_start3A_5 = arith.constant 0 : i32
    %dma_start3A_6 = tpu.memref_slice %arg3[%dma_start3A, %dma_start3A_5] : memref<100000x128xf32, #tpu.memory_space<hbm>> -> memref<100000x128xf32, #tpu.memory_space<hbm>>
    tpu.enqueue_indirect_dma source(%dma_start3A_6 : memref<100000x128xf32, #tpu.memory_space<hbm>>) target(%arg7 : memref<200x128xf32, #tpu.memory_space<vmem>>) offsets(%arg5 : memref<200xi32, #tpu.memory_space<vmem>>) semaphore(%arg10 : memref<!tpu.dma_semaphore, #tpu.memory_space<semaphore_mem>>)
    %add3A_7 = arith.constant 200 : i32
    %add3A_8 = arith.addi %mul3A_2, %add3A_7 : i32
    "tpu.region"() ({
      %run_scoped3A = tpu.sem_alloc : memref<!tpu.dma_semaphore, #tpu.memory_space<semaphore_mem>>
      %dma_start3A_149 = tpu.memref_slice %arg2[%add3A_8] : memref<819200xi32, #tpu.memory_space<hbm>> -> memref<200xi32, #tpu.memory_space<hbm>>
      %dma_start3A_150 = tpu.memref_slice %arg2[%add3A_8] : memref<819200xi32, #tpu.memory_space<hbm>> -> memref<200xi32, #tpu.memory_space<hbm>>
      tpu.enqueue_dma source(%dma_start3A_150 : memref<200xi32, #tpu.memory_space<hbm>>) target(%arg6 : memref<200xi32, #tpu.memory_space<vmem>>) target_semaphore(%run_scoped3A : memref<!tpu.dma_semaphore, #tpu.memory_space<semaphore_mem>>)
      %dma_wait3A_151 = tpu.memref_slice %arg2[%add3A_8] : memref<819200xi32, #tpu.memory_space<hbm>> -> memref<200xi32, #tpu.memory_space<hbm>>
      %dma_wait3A_152 = tpu.memref_slice %arg2[%add3A_8] : memref<819200xi32, #tpu.memory_space<hbm>> -> memref<200xi32, #tpu.memory_space<hbm>>
      tpu.wait_dma2 semaphore(%run_scoped3A : memref<!tpu.dma_semaphore, #tpu.memory_space<semaphore_mem>>) src(%dma_wait3A_152 : memref<200xi32, #tpu.memory_space<hbm>>) dst(%arg6 : memref<200xi32, #tpu.memory_space<vmem>>)
      tpu.yield
    }) : () -> ()
    %dma_start3A_9 = arith.constant 0 : i32
    %dma_start3A_10 = arith.constant 0 : i32
    %dma_start3A_11 = tpu.memref_slice %arg3[%dma_start3A_9, %dma_start3A_10] : memref<100000x128xf32, #tpu.memory_space<hbm>> -> memref<100000x128xf32, #tpu.memory_space<hbm>>
    tpu.enqueue_indirect_dma source(%dma_start3A_11 : memref<100000x128xf32, #tpu.memory_space<hbm>>) target(%arg8 : memref<200x128xf32, #tpu.memory_space<vmem>>) offsets(%arg6 : memref<200xi32, #tpu.memory_space<vmem>>) semaphore(%arg11 : memref<!tpu.dma_semaphore, #tpu.memory_space<semaphore_mem>>)
    %dma_wait3A = arith.constant 0 : i32
    %dma_wait3A_12 = arith.constant 0 : i32
    %dma_wait3A_13 = tpu.memref_slice %arg3[%dma_wait3A, %dma_wait3A_12] : memref<100000x128xf32, #tpu.memory_space<hbm>> -> memref<100000x128xf32, #tpu.memory_space<hbm>>
    tpu.wait_indirect_dma semaphore(%arg10 : memref<!tpu.dma_semaphore, #tpu.memory_space<semaphore_mem>>) src(%dma_wait3A_13 : memref<100000x128xf32, #tpu.memory_space<hbm>>) dst(%arg7 : memref<200x128xf32, #tpu.memory_space<vmem>>)
    %add3A_14 = arith.constant 0 : i32
    %add3A_15 = arith.addi %mul3A_2, %add3A_14 : i32
    %mul3A_16 = arith.constant 2 : i32
    %mul3A_17 = arith.muli %arg1, %mul3A_16 : i32
    %add3A_18 = arith.constant 0 : i32
    %add3A_19 = arith.addi %mul3A_17, %add3A_18 : i32
    "tpu.region"() ({
      %run_scoped3A = tpu.sem_alloc : memref<!tpu.dma_semaphore, #tpu.memory_space<semaphore_mem>>
      %dma_start3A_149 = arith.constant 0 : i32
      %dma_start3A_150 = arith.constant 0 : i32
      %dma_start3A_151 = tpu.memref_slice %arg9[%add3A_19, %dma_start3A_149, %dma_start3A_150] : memref<32x200x128xf32, #tpu.memory_space<vmem_shared>> -> memref<1x200x128xf32, #tpu.memory_space<vmem_shared>>
      %dma_start3A_152 = tpu.memref_squeeze %dma_start3A_151 : memref<1x200x128xf32, #tpu.memory_space<vmem_shared>> -> memref<200x128xf32, #tpu.memory_space<vmem_shared>>
      %dma_start3A_153 = arith.constant 0 : i32
      %dma_start3A_154 = arith.constant 0 : i32
      %dma_start3A_155 = tpu.memref_slice %arg9[%add3A_19, %dma_start3A_153, %dma_start3A_154] : memref<32x200x128xf32, #tpu.memory_space<vmem_shared>> -> memref<1x200x128xf32, #tpu.memory_space<vmem_shared>>
      %dma_start3A_156 = tpu.memref_squeeze %dma_start3A_155 : memref<1x200x128xf32, #tpu.memory_space<vmem_shared>> -> memref<200x128xf32, #tpu.memory_space<vmem_shared>>
      tpu.enqueue_dma source(%arg7 : memref<200x128xf32, #tpu.memory_space<vmem>>) target(%dma_start3A_156 : memref<200x128xf32, #tpu.memory_space<vmem_shared>>) target_semaphore(%run_scoped3A : memref<!tpu.dma_semaphore, #tpu.memory_space<semaphore_mem>>)
      %dma_wait3A_157 = arith.constant 0 : i32
      %dma_wait3A_158 = arith.constant 0 : i32
      %dma_wait3A_159 = tpu.memref_slice %arg9[%add3A_19, %dma_wait3A_157, %dma_wait3A_158] : memref<32x200x128xf32, #tpu.memory_space<vmem_shared>> -> memref<1x200x128xf32, #tpu.memory_space<vmem_shared>>
      %dma_wait3A_160 = tpu.memref_squeeze %dma_wait3A_159 : memref<1x200x128xf32, #tpu.memory_space<vmem_shared>> -> memref<200x128xf32, #tpu.memory_space<vmem_shared>>
      %dma_wait3A_161 = arith.constant 0 : i32
      %dma_wait3A_162 = arith.constant 0 : i32
      %dma_wait3A_163 = tpu.memref_slice %arg9[%add3A_19, %dma_wait3A_161, %dma_wait3A_162] : memref<32x200x128xf32, #tpu.memory_space<vmem_shared>> -> memref<1x200x128xf32, #tpu.memory_space<vmem_shared>>
      %dma_wait3A_164 = tpu.memref_squeeze %dma_wait3A_163 : memref<1x200x128xf32, #tpu.memory_space<vmem_shared>> -> memref<200x128xf32, #tpu.memory_space<vmem_shared>>
      tpu.wait_dma2 semaphore(%run_scoped3A : memref<!tpu.dma_semaphore, #tpu.memory_space<semaphore_mem>>) src(%arg7 : memref<200x128xf32, #tpu.memory_space<vmem>>) dst(%dma_wait3A_164 : memref<200x128xf32, #tpu.memory_space<vmem_shared>>)
      tpu.yield
    }) : () -> ()
    %mul3A_20 = arith.constant 2 : i32
    %mul3A_21 = arith.muli %arg1, %mul3A_20 : i32
    %add3A_22 = arith.constant 0 : i32
    %add3A_23 = arith.addi %mul3A_21, %add3A_22 : i32
    %dma_start3A_24 = arith.constant 0 : i32
    %dma_start3A_25 = tpu.memref_slice %arg4[%add3A_15, %dma_start3A_24] : memref<819200x128xf32, #tpu.memory_space<hbm>> -> memref<200x128xf32, #tpu.memory_space<hbm>>
    %dma_start3A_26 = arith.constant 0 : i32
    %dma_start3A_27 = arith.constant 0 : i32
    %dma_start3A_28 = tpu.memref_slice %arg9[%add3A_23, %dma_start3A_26, %dma_start3A_27] : memref<32x200x128xf32, #tpu.memory_space<vmem_shared>> -> memref<1x200x128xf32, #tpu.memory_space<vmem_shared>>
    %dma_start3A_29 = tpu.memref_squeeze %dma_start3A_28 : memref<1x200x128xf32, #tpu.memory_space<vmem_shared>> -> memref<200x128xf32, #tpu.memory_space<vmem_shared>>
    tpu.enqueue_dma source(%dma_start3A_29 : memref<200x128xf32, #tpu.memory_space<vmem_shared>>) target(%dma_start3A_25 : memref<200x128xf32, #tpu.memory_space<hbm>>) target_semaphore(%arg12 : memref<!tpu.dma_semaphore, #tpu.memory_space<semaphore_mem>>)
    %add3A_30 = arith.constant 400 : i32
    %add3A_31 = arith.addi %mul3A_2, %add3A_30 : i32
    "tpu.region"() ({
      %run_scoped3A = tpu.sem_alloc : memref<!tpu.dma_semaphore, #tpu.memory_space<semaphore_mem>>
      %dma_start3A_149 = tpu.memref_slice %arg2[%add3A_31] : memref<819200xi32, #tpu.memory_space<hbm>> -> memref<200xi32, #tpu.memory_space<hbm>>
      %dma_start3A_150 = tpu.memref_slice %arg2[%add3A_31] : memref<819200xi32, #tpu.memory_space<hbm>> -> memref<200xi32, #tpu.memory_space<hbm>>
      tpu.enqueue_dma source(%dma_start3A_150 : memref<200xi32, #tpu.memory_space<hbm>>) target(%arg5 : memref<200xi32, #tpu.memory_space<vmem>>) target_semaphore(%run_scoped3A : memref<!tpu.dma_semaphore, #tpu.memory_space<semaphore_mem>>)
      %dma_wait3A_151 = tpu.memref_slice %arg2[%add3A_31] : memref<819200xi32, #tpu.memory_space<hbm>> -> memref<200xi32, #tpu.memory_space<hbm>>
      %dma_wait3A_152 = tpu.memref_slice %arg2[%add3A_31] : memref<819200xi32, #tpu.memory_space<hbm>> -> memref<200xi32, #tpu.memory_space<hbm>>
      tpu.wait_dma2 semaphore(%run_scoped3A : memref<!tpu.dma_semaphore, #tpu.memory_space<semaphore_mem>>) src(%dma_wait3A_152 : memref<200xi32, #tpu.memory_space<hbm>>) dst(%arg5 : memref<200xi32, #tpu.memory_space<vmem>>)
      tpu.yield
    }) : () -> ()
    %dma_start3A_32 = arith.constant 0 : i32
    %dma_start3A_33 = arith.constant 0 : i32
    %dma_start3A_34 = tpu.memref_slice %arg3[%dma_start3A_32, %dma_start3A_33] : memref<100000x128xf32, #tpu.memory_space<hbm>> -> memref<100000x128xf32, #tpu.memory_space<hbm>>
    tpu.enqueue_indirect_dma source(%dma_start3A_34 : memref<100000x128xf32, #tpu.memory_space<hbm>>) target(%arg7 : memref<200x128xf32, #tpu.memory_space<vmem>>) offsets(%arg5 : memref<200xi32, #tpu.memory_space<vmem>>) semaphore(%arg10 : memref<!tpu.dma_semaphore, #tpu.memory_space<semaphore_mem>>)
    %dma_wait3A_35 = arith.constant 0 : i32
    %dma_wait3A_36 = arith.constant 0 : i32
    %dma_wait3A_37 = tpu.memref_slice %arg3[%dma_wait3A_35, %dma_wait3A_36] : memref<100000x128xf32, #tpu.memory_space<hbm>> -> memref<100000x128xf32, #tpu.memory_space<hbm>>
    tpu.wait_indirect_dma semaphore(%arg11 : memref<!tpu.dma_semaphore, #tpu.memory_space<semaphore_mem>>) src(%dma_wait3A_37 : memref<100000x128xf32, #tpu.memory_space<hbm>>) dst(%arg8 : memref<200x128xf32, #tpu.memory_space<vmem>>)
    %add3A_38 = arith.constant 200 : i32
    %add3A_39 = arith.addi %mul3A_2, %add3A_38 : i32
    %mul3A_40 = arith.constant 2 : i32
    %mul3A_41 = arith.muli %arg1, %mul3A_40 : i32
    %add3A_42 = arith.constant 1 : i32
    %add3A_43 = arith.addi %mul3A_41, %add3A_42 : i32
    "tpu.region"() ({
      %run_scoped3A = tpu.sem_alloc : memref<!tpu.dma_semaphore, #tpu.memory_space<semaphore_mem>>
      %dma_start3A_149 = arith.constant 0 : i32
      %dma_start3A_150 = arith.constant 0 : i32
      %dma_start3A_151 = tpu.memref_slice %arg9[%add3A_43, %dma_start3A_149, %dma_start3A_150] : memref<32x200x128xf32, #tpu.memory_space<vmem_shared>> -> memref<1x200x128xf32, #tpu.memory_space<vmem_shared>>
      %dma_start3A_152 = tpu.memref_squeeze %dma_start3A_151 : memref<1x200x128xf32, #tpu.memory_space<vmem_shared>> -> memref<200x128xf32, #tpu.memory_space<vmem_shared>>
      %dma_start3A_153 = arith.constant 0 : i32
      %dma_start3A_154 = arith.constant 0 : i32
      %dma_start3A_155 = tpu.memref_slice %arg9[%add3A_43, %dma_start3A_153, %dma_start3A_154] : memref<32x200x128xf32, #tpu.memory_space<vmem_shared>> -> memref<1x200x128xf32, #tpu.memory_space<vmem_shared>>
      %dma_start3A_156 = tpu.memref_squeeze %dma_start3A_155 : memref<1x200x128xf32, #tpu.memory_space<vmem_shared>> -> memref<200x128xf32, #tpu.memory_space<vmem_shared>>
      tpu.enqueue_dma source(%arg8 : memref<200x128xf32, #tpu.memory_space<vmem>>) target(%dma_start3A_156 : memref<200x128xf32, #tpu.memory_space<vmem_shared>>) target_semaphore(%run_scoped3A : memref<!tpu.dma_semaphore, #tpu.memory_space<semaphore_mem>>)
      %dma_wait3A_157 = arith.constant 0 : i32
      %dma_wait3A_158 = arith.constant 0 : i32
      %dma_wait3A_159 = tpu.memref_slice %arg9[%add3A_43, %dma_wait3A_157, %dma_wait3A_158] : memref<32x200x128xf32, #tpu.memory_space<vmem_shared>> -> memref<1x200x128xf32, #tpu.memory_space<vmem_shared>>
      %dma_wait3A_160 = tpu.memref_squeeze %dma_wait3A_159 : memref<1x200x128xf32, #tpu.memory_space<vmem_shared>> -> memref<200x128xf32, #tpu.memory_space<vmem_shared>>
      %dma_wait3A_161 = arith.constant 0 : i32
      %dma_wait3A_162 = arith.constant 0 : i32
      %dma_wait3A_163 = tpu.memref_slice %arg9[%add3A_43, %dma_wait3A_161, %dma_wait3A_162] : memref<32x200x128xf32, #tpu.memory_space<vmem_shared>> -> memref<1x200x128xf32, #tpu.memory_space<vmem_shared>>
      %dma_wait3A_164 = tpu.memref_squeeze %dma_wait3A_163 : memref<1x200x128xf32, #tpu.memory_space<vmem_shared>> -> memref<200x128xf32, #tpu.memory_space<vmem_shared>>
      tpu.wait_dma2 semaphore(%run_scoped3A : memref<!tpu.dma_semaphore, #tpu.memory_space<semaphore_mem>>) src(%arg8 : memref<200x128xf32, #tpu.memory_space<vmem>>) dst(%dma_wait3A_164 : memref<200x128xf32, #tpu.memory_space<vmem_shared>>)
      tpu.yield
    }) : () -> ()
    %mul3A_44 = arith.constant 2 : i32
    %mul3A_45 = arith.muli %arg1, %mul3A_44 : i32
    %add3A_46 = arith.constant 1 : i32
    %add3A_47 = arith.addi %mul3A_45, %add3A_46 : i32
    %dma_start3A_48 = arith.constant 0 : i32
    %dma_start3A_49 = tpu.memref_slice %arg4[%add3A_39, %dma_start3A_48] : memref<819200x128xf32, #tpu.memory_space<hbm>> -> memref<200x128xf32, #tpu.memory_space<hbm>>
    %dma_start3A_50 = arith.constant 0 : i32
    %dma_start3A_51 = arith.constant 0 : i32
    %dma_start3A_52 = tpu.memref_slice %arg9[%add3A_47, %dma_start3A_50, %dma_start3A_51] : memref<32x200x128xf32, #tpu.memory_space<vmem_shared>> -> memref<1x200x128xf32, #tpu.memory_space<vmem_shared>>
    %dma_start3A_53 = tpu.memref_squeeze %dma_start3A_52 : memref<1x200x128xf32, #tpu.memory_space<vmem_shared>> -> memref<200x128xf32, #tpu.memory_space<vmem_shared>>
    tpu.enqueue_dma source(%dma_start3A_53 : memref<200x128xf32, #tpu.memory_space<vmem_shared>>) target(%dma_start3A_49 : memref<200x128xf32, #tpu.memory_space<hbm>>) target_semaphore(%arg13 : memref<!tpu.dma_semaphore, #tpu.memory_space<semaphore_mem>>)
    %add3A_54 = arith.constant 600 : i32
    %add3A_55 = arith.addi %mul3A_2, %add3A_54 : i32
    "tpu.region"() ({
      %run_scoped3A = tpu.sem_alloc : memref<!tpu.dma_semaphore, #tpu.memory_space<semaphore_mem>>
      %dma_start3A_149 = tpu.memref_slice %arg2[%add3A_55] : memref<819200xi32, #tpu.memory_space<hbm>> -> memref<200xi32, #tpu.memory_space<hbm>>
      %dma_start3A_150 = tpu.memref_slice %arg2[%add3A_55] : memref<819200xi32, #tpu.memory_space<hbm>> -> memref<200xi32, #tpu.memory_space<hbm>>
      tpu.enqueue_dma source(%dma_start3A_150 : memref<200xi32, #tpu.memory_space<hbm>>) target(%arg6 : memref<200xi32, #tpu.memory_space<vmem>>) target_semaphore(%run_scoped3A : memref<!tpu.dma_semaphore, #tpu.memory_space<semaphore_mem>>)
      %dma_wait3A_151 = tpu.memref_slice %arg2[%add3A_55] : memref<819200xi32, #tpu.memory_space<hbm>> -> memref<200xi32, #tpu.memory_space<hbm>>
      %dma_wait3A_152 = tpu.memref_slice %arg2[%add3A_55] : memref<819200xi32, #tpu.memory_space<hbm>> -> memref<200xi32, #tpu.memory_space<hbm>>
      tpu.wait_dma2 semaphore(%run_scoped3A : memref<!tpu.dma_semaphore, #tpu.memory_space<semaphore_mem>>) src(%dma_wait3A_152 : memref<200xi32, #tpu.memory_space<hbm>>) dst(%arg6 : memref<200xi32, #tpu.memory_space<vmem>>)
      tpu.yield
    }) : () -> ()
    %dma_start3A_56 = arith.constant 0 : i32
    %dma_start3A_57 = arith.constant 0 : i32
    %dma_start3A_58 = tpu.memref_slice %arg3[%dma_start3A_56, %dma_start3A_57] : memref<100000x128xf32, #tpu.memory_space<hbm>> -> memref<100000x128xf32, #tpu.memory_space<hbm>>
    tpu.enqueue_indirect_dma source(%dma_start3A_58 : memref<100000x128xf32, #tpu.memory_space<hbm>>) target(%arg8 : memref<200x128xf32, #tpu.memory_space<vmem>>) offsets(%arg6 : memref<200xi32, #tpu.memory_space<vmem>>) semaphore(%arg11 : memref<!tpu.dma_semaphore, #tpu.memory_space<semaphore_mem>>)
    %scan3A = arith.constant 0 : i32
    %scan3A_59 = arith.constant 62 : i32
    %scan3A_60 = arith.addi %scan3A, %scan3A_59 : i32
    %scan3A_61 = arith.constant 1 : i32
    scf.for %scan3A_149 = %scan3A to %scan3A_60 step %scan3A_61  : i32 {
      %mul3A_150 = arith.constant 2 : i32
      %mul3A_151 = arith.muli %scan3A_149, %mul3A_150 : i32
      %add3A_152 = arith.constant 2 : i32
      %add3A_153 = arith.addi %add3A_152, %mul3A_151 : i32
      %dma_wait3A_154 = arith.constant 0 : i32
      %dma_wait3A_155 = arith.constant 0 : i32
      %dma_wait3A_156 = tpu.memref_slice %arg3[%dma_wait3A_154, %dma_wait3A_155] : memref<100000x128xf32, #tpu.memory_space<hbm>> -> memref<100000x128xf32, #tpu.memory_space<hbm>>
      tpu.wait_indirect_dma semaphore(%arg10 : memref<!tpu.dma_semaphore, #tpu.memory_space<semaphore_mem>>) src(%dma_wait3A_156 : memref<100000x128xf32, #tpu.memory_space<hbm>>) dst(%arg7 : memref<200x128xf32, #tpu.memory_space<vmem>>)
      %sub3A = arith.constant 2 : i32
      %sub3A_157 = arith.subi %add3A_153, %sub3A : i32
      %add3A_158 = arith.constant 0 : i32
      %add3A_159 = arith.addi %sub3A_157, %add3A_158 : i32
      %mul3A_160 = arith.constant 200 : i32
      %mul3A_161 = arith.muli %add3A_159, %mul3A_160 : i32
      %add3A_162 = arith.addi %mul3A_2, %mul3A_161 : i32
      %mul3A_163 = arith.constant 2 : i32
      %mul3A_164 = arith.muli %arg1, %mul3A_163 : i32
      %add3A_165 = arith.constant 0 : i32
      %add3A_166 = arith.addi %mul3A_164, %add3A_165 : i32
      %dma_wait3A_167 = arith.constant 0 : i32
      %dma_wait3A_168 = tpu.memref_slice %arg4[%add3A_162, %dma_wait3A_167] : memref<819200x128xf32, #tpu.memory_space<hbm>> -> memref<200x128xf32, #tpu.memory_space<hbm>>
      %dma_wait3A_169 = arith.constant 0 : i32
      %dma_wait3A_170 = arith.constant 0 : i32
      %dma_wait3A_171 = tpu.memref_slice %arg9[%add3A_166, %dma_wait3A_169, %dma_wait3A_170] : memref<32x200x128xf32, #tpu.memory_space<vmem_shared>> -> memref<1x200x128xf32, #tpu.memory_space<vmem_shared>>
      %dma_wait3A_172 = tpu.memref_squeeze %dma_wait3A_171 : memref<1x200x128xf32, #tpu.memory_space<vmem_shared>> -> memref<200x128xf32, #tpu.memory_space<vmem_shared>>
      tpu.wait_dma2 semaphore(%arg12 : memref<!tpu.dma_semaphore, #tpu.memory_space<semaphore_mem>>) src(%dma_wait3A_172 : memref<200x128xf32, #tpu.memory_space<vmem_shared>>) dst(%dma_wait3A_168 : memref<200x128xf32, #tpu.memory_space<hbm>>)
      %add3A_173 = arith.constant 0 : i32
      %add3A_174 = arith.addi %add3A_153, %add3A_173 : i32
      %mul3A_175 = arith.constant 200 : i32
      %mul3A_176 = arith.muli %add3A_174, %mul3A_175 : i32
      %add3A_177 = arith.addi %mul3A_2, %mul3A_176 : i32
      %mul3A_178 = arith.constant 2 : i32
      %mul3A_179 = arith.muli %arg1, %mul3A_178 : i32
      %add3A_180 = arith.constant 0 : i32
      %add3A_181 = arith.addi %mul3A_179, %add3A_180 : i32
      "tpu.region"() ({
        %run_scoped3A = tpu.sem_alloc : memref<!tpu.dma_semaphore, #tpu.memory_space<semaphore_mem>>
        %dma_start3A_251 = arith.constant 0 : i32
        %dma_start3A_252 = arith.constant 0 : i32
        %dma_start3A_253 = tpu.memref_slice %arg9[%add3A_181, %dma_start3A_251, %dma_start3A_252] : memref<32x200x128xf32, #tpu.memory_space<vmem_shared>> -> memref<1x200x128xf32, #tpu.memory_space<vmem_shared>>
        %dma_start3A_254 = tpu.memref_squeeze %dma_start3A_253 : memref<1x200x128xf32, #tpu.memory_space<vmem_shared>> -> memref<200x128xf32, #tpu.memory_space<vmem_shared>>
        %dma_start3A_255 = arith.constant 0 : i32
        %dma_start3A_256 = arith.constant 0 : i32
        %dma_start3A_257 = tpu.memref_slice %arg9[%add3A_181, %dma_start3A_255, %dma_start3A_256] : memref<32x200x128xf32, #tpu.memory_space<vmem_shared>> -> memref<1x200x128xf32, #tpu.memory_space<vmem_shared>>
        %dma_start3A_258 = tpu.memref_squeeze %dma_start3A_257 : memref<1x200x128xf32, #tpu.memory_space<vmem_shared>> -> memref<200x128xf32, #tpu.memory_space<vmem_shared>>
        tpu.enqueue_dma source(%arg7 : memref<200x128xf32, #tpu.memory_space<vmem>>) target(%dma_start3A_258 : memref<200x128xf32, #tpu.memory_space<vmem_shared>>) target_semaphore(%run_scoped3A : memref<!tpu.dma_semaphore, #tpu.memory_space<semaphore_mem>>)
        %dma_wait3A_259 = arith.constant 0 : i32
        %dma_wait3A_260 = arith.constant 0 : i32
        %dma_wait3A_261 = tpu.memref_slice %arg9[%add3A_181, %dma_wait3A_259, %dma_wait3A_260] : memref<32x200x128xf32, #tpu.memory_space<vmem_shared>> -> memref<1x200x128xf32, #tpu.memory_space<vmem_shared>>
        %dma_wait3A_262 = tpu.memref_squeeze %dma_wait3A_261 : memref<1x200x128xf32, #tpu.memory_space<vmem_shared>> -> memref<200x128xf32, #tpu.memory_space<vmem_shared>>
        %dma_wait3A_263 = arith.constant 0 : i32
        %dma_wait3A_264 = arith.constant 0 : i32
        %dma_wait3A_265 = tpu.memref_slice %arg9[%add3A_181, %dma_wait3A_263, %dma_wait3A_264] : memref<32x200x128xf32, #tpu.memory_space<vmem_shared>> -> memref<1x200x128xf32, #tpu.memory_space<vmem_shared>>
        %dma_wait3A_266 = tpu.memref_squeeze %dma_wait3A_265 : memref<1x200x128xf32, #tpu.memory_space<vmem_shared>> -> memref<200x128xf32, #tpu.memory_space<vmem_shared>>
        tpu.wait_dma2 semaphore(%run_scoped3A : memref<!tpu.dma_semaphore, #tpu.memory_space<semaphore_mem>>) src(%arg7 : memref<200x128xf32, #tpu.memory_space<vmem>>) dst(%dma_wait3A_266 : memref<200x128xf32, #tpu.memory_space<vmem_shared>>)
        tpu.yield
      }) : () -> ()
      %mul3A_182 = arith.constant 2 : i32
      %mul3A_183 = arith.muli %arg1, %mul3A_182 : i32
      %add3A_184 = arith.constant 0 : i32
      %add3A_185 = arith.addi %mul3A_183, %add3A_184 : i32
      %dma_start3A_186 = arith.constant 0 : i32
      %dma_start3A_187 = tpu.memref_slice %arg4[%add3A_177, %dma_start3A_186] : memref<819200x128xf32, #tpu.memory_space<hbm>> -> memref<200x128xf32, #tpu.memory_space<hbm>>
      %dma_start3A_188 = arith.constant 0 : i32
      %dma_start3A_189 = arith.constant 0 : i32
      %dma_start3A_190 = tpu.memref_slice %arg9[%add3A_185, %dma_start3A_188, %dma_start3A_189] : memref<32x200x128xf32, #tpu.memory_space<vmem_shared>> -> memref<1x200x128xf32, #tpu.memory_space<vmem_shared>>
      %dma_start3A_191 = tpu.memref_squeeze %dma_start3A_190 : memref<1x200x128xf32, #tpu.memory_space<vmem_shared>> -> memref<200x128xf32, #tpu.memory_space<vmem_shared>>
      tpu.enqueue_dma source(%dma_start3A_191 : memref<200x128xf32, #tpu.memory_space<vmem_shared>>) target(%dma_start3A_187 : memref<200x128xf32, #tpu.memory_space<hbm>>) target_semaphore(%arg12 : memref<!tpu.dma_semaphore, #tpu.memory_space<semaphore_mem>>)
      %add3A_192 = arith.constant 2 : i32
      %add3A_193 = arith.addi %add3A_153, %add3A_192 : i32
      %add3A_194 = arith.constant 0 : i32
      %add3A_195 = arith.addi %add3A_193, %add3A_194 : i32
      %mul3A_196 = arith.constant 200 : i32
      %mul3A_197 = arith.muli %add3A_195, %mul3A_196 : i32
      %add3A_198 = arith.addi %mul3A_2, %mul3A_197 : i32
      "tpu.region"() ({
        %run_scoped3A = tpu.sem_alloc : memref<!tpu.dma_semaphore, #tpu.memory_space<semaphore_mem>>
        %dma_start3A_251 = tpu.memref_slice %arg2[%add3A_198] : memref<819200xi32, #tpu.memory_space<hbm>> -> memref<200xi32, #tpu.memory_space<hbm>>
        %dma_start3A_252 = tpu.memref_slice %arg2[%add3A_198] : memref<819200xi32, #tpu.memory_space<hbm>> -> memref<200xi32, #tpu.memory_space<hbm>>
        tpu.enqueue_dma source(%dma_start3A_252 : memref<200xi32, #tpu.memory_space<hbm>>) target(%arg5 : memref<200xi32, #tpu.memory_space<vmem>>) target_semaphore(%run_scoped3A : memref<!tpu.dma_semaphore, #tpu.memory_space<semaphore_mem>>)
        %dma_wait3A_253 = tpu.memref_slice %arg2[%add3A_198] : memref<819200xi32, #tpu.memory_space<hbm>> -> memref<200xi32, #tpu.memory_space<hbm>>
        %dma_wait3A_254 = tpu.memref_slice %arg2[%add3A_198] : memref<819200xi32, #tpu.memory_space<hbm>> -> memref<200xi32, #tpu.memory_space<hbm>>
        tpu.wait_dma2 semaphore(%run_scoped3A : memref<!tpu.dma_semaphore, #tpu.memory_space<semaphore_mem>>) src(%dma_wait3A_254 : memref<200xi32, #tpu.memory_space<hbm>>) dst(%arg5 : memref<200xi32, #tpu.memory_space<vmem>>)
        tpu.yield
      }) : () -> ()
      %dma_start3A_199 = arith.constant 0 : i32
      %dma_start3A_200 = arith.constant 0 : i32
      %dma_start3A_201 = tpu.memref_slice %arg3[%dma_start3A_199, %dma_start3A_200] : memref<100000x128xf32, #tpu.memory_space<hbm>> -> memref<100000x128xf32, #tpu.memory_space<hbm>>
      tpu.enqueue_indirect_dma source(%dma_start3A_201 : memref<100000x128xf32, #tpu.memory_space<hbm>>) target(%arg7 : memref<200x128xf32, #tpu.memory_space<vmem>>) offsets(%arg5 : memref<200xi32, #tpu.memory_space<vmem>>) semaphore(%arg10 : memref<!tpu.dma_semaphore, #tpu.memory_space<semaphore_mem>>)
      %dma_wait3A_202 = arith.constant 0 : i32
      %dma_wait3A_203 = arith.constant 0 : i32
      %dma_wait3A_204 = tpu.memref_slice %arg3[%dma_wait3A_202, %dma_wait3A_203] : memref<100000x128xf32, #tpu.memory_space<hbm>> -> memref<100000x128xf32, #tpu.memory_space<hbm>>
      tpu.wait_indirect_dma semaphore(%arg11 : memref<!tpu.dma_semaphore, #tpu.memory_space<semaphore_mem>>) src(%dma_wait3A_204 : memref<100000x128xf32, #tpu.memory_space<hbm>>) dst(%arg8 : memref<200x128xf32, #tpu.memory_space<vmem>>)
      %sub3A_205 = arith.constant 2 : i32
      %sub3A_206 = arith.subi %add3A_153, %sub3A_205 : i32
      %add3A_207 = arith.constant 1 : i32
      %add3A_208 = arith.addi %sub3A_206, %add3A_207 : i32
      %mul3A_209 = arith.constant 200 : i32
      %mul3A_210 = arith.muli %add3A_208, %mul3A_209 : i32
      %add3A_211 = arith.addi %mul3A_2, %mul3A_210 : i32
      %mul3A_212 = arith.constant 2 : i32
      %mul3A_213 = arith.muli %arg1, %mul3A_212 : i32
      %add3A_214 = arith.constant 1 : i32
      %add3A_215 = arith.addi %mul3A_213, %add3A_214 : i32
      %dma_wait3A_216 = arith.constant 0 : i32
      %dma_wait3A_217 = tpu.memref_slice %arg4[%add3A_211, %dma_wait3A_216] : memref<819200x128xf32, #tpu.memory_space<hbm>> -> memref<200x128xf32, #tpu.memory_space<hbm>>
      %dma_wait3A_218 = arith.constant 0 : i32
      %dma_wait3A_219 = arith.constant 0 : i32
      %dma_wait3A_220 = tpu.memref_slice %arg9[%add3A_215, %dma_wait3A_218, %dma_wait3A_219] : memref<32x200x128xf32, #tpu.memory_space<vmem_shared>> -> memref<1x200x128xf32, #tpu.memory_space<vmem_shared>>
      %dma_wait3A_221 = tpu.memref_squeeze %dma_wait3A_220 : memref<1x200x128xf32, #tpu.memory_space<vmem_shared>> -> memref<200x128xf32, #tpu.memory_space<vmem_shared>>
      tpu.wait_dma2 semaphore(%arg13 : memref<!tpu.dma_semaphore, #tpu.memory_space<semaphore_mem>>) src(%dma_wait3A_221 : memref<200x128xf32, #tpu.memory_space<vmem_shared>>) dst(%dma_wait3A_217 : memref<200x128xf32, #tpu.memory_space<hbm>>)
      %add3A_222 = arith.constant 1 : i32
      %add3A_223 = arith.addi %add3A_153, %add3A_222 : i32
      %mul3A_224 = arith.constant 200 : i32
      %mul3A_225 = arith.muli %add3A_223, %mul3A_224 : i32
      %add3A_226 = arith.addi %mul3A_2, %mul3A_225 : i32
      %mul3A_227 = arith.constant 2 : i32
      %mul3A_228 = arith.muli %arg1, %mul3A_227 : i32
      %add3A_229 = arith.constant 1 : i32
      %add3A_230 = arith.addi %mul3A_228, %add3A_229 : i32
      "tpu.region"() ({
        %run_scoped3A = tpu.sem_alloc : memref<!tpu.dma_semaphore, #tpu.memory_space<semaphore_mem>>
        %dma_start3A_251 = arith.constant 0 : i32
        %dma_start3A_252 = arith.constant 0 : i32
        %dma_start3A_253 = tpu.memref_slice %arg9[%add3A_230, %dma_start3A_251, %dma_start3A_252] : memref<32x200x128xf32, #tpu.memory_space<vmem_shared>> -> memref<1x200x128xf32, #tpu.memory_space<vmem_shared>>
        %dma_start3A_254 = tpu.memref_squeeze %dma_start3A_253 : memref<1x200x128xf32, #tpu.memory_space<vmem_shared>> -> memref<200x128xf32, #tpu.memory_space<vmem_shared>>
        %dma_start3A_255 = arith.constant 0 : i32
        %dma_start3A_256 = arith.constant 0 : i32
        %dma_start3A_257 = tpu.memref_slice %arg9[%add3A_230, %dma_start3A_255, %dma_start3A_256] : memref<32x200x128xf32, #tpu.memory_space<vmem_shared>> -> memref<1x200x128xf32, #tpu.memory_space<vmem_shared>>
        %dma_start3A_258 = tpu.memref_squeeze %dma_start3A_257 : memref<1x200x128xf32, #tpu.memory_space<vmem_shared>> -> memref<200x128xf32, #tpu.memory_space<vmem_shared>>
        tpu.enqueue_dma source(%arg8 : memref<200x128xf32, #tpu.memory_space<vmem>>) target(%dma_start3A_258 : memref<200x128xf32, #tpu.memory_space<vmem_shared>>) target_semaphore(%run_scoped3A : memref<!tpu.dma_semaphore, #tpu.memory_space<semaphore_mem>>)
        %dma_wait3A_259 = arith.constant 0 : i32
        %dma_wait3A_260 = arith.constant 0 : i32
        %dma_wait3A_261 = tpu.memref_slice %arg9[%add3A_230, %dma_wait3A_259, %dma_wait3A_260] : memref<32x200x128xf32, #tpu.memory_space<vmem_shared>> -> memref<1x200x128xf32, #tpu.memory_space<vmem_shared>>
        %dma_wait3A_262 = tpu.memref_squeeze %dma_wait3A_261 : memref<1x200x128xf32, #tpu.memory_space<vmem_shared>> -> memref<200x128xf32, #tpu.memory_space<vmem_shared>>
        %dma_wait3A_263 = arith.constant 0 : i32
        %dma_wait3A_264 = arith.constant 0 : i32
        %dma_wait3A_265 = tpu.memref_slice %arg9[%add3A_230, %dma_wait3A_263, %dma_wait3A_264] : memref<32x200x128xf32, #tpu.memory_space<vmem_shared>> -> memref<1x200x128xf32, #tpu.memory_space<vmem_shared>>
        %dma_wait3A_266 = tpu.memref_squeeze %dma_wait3A_265 : memref<1x200x128xf32, #tpu.memory_space<vmem_shared>> -> memref<200x128xf32, #tpu.memory_space<vmem_shared>>
        tpu.wait_dma2 semaphore(%run_scoped3A : memref<!tpu.dma_semaphore, #tpu.memory_space<semaphore_mem>>) src(%arg8 : memref<200x128xf32, #tpu.memory_space<vmem>>) dst(%dma_wait3A_266 : memref<200x128xf32, #tpu.memory_space<vmem_shared>>)
        tpu.yield
      }) : () -> ()
      %mul3A_231 = arith.constant 2 : i32
      %mul3A_232 = arith.muli %arg1, %mul3A_231 : i32
      %add3A_233 = arith.constant 1 : i32
      %add3A_234 = arith.addi %mul3A_232, %add3A_233 : i32
      %dma_start3A_235 = arith.constant 0 : i32
      %dma_start3A_236 = tpu.memref_slice %arg4[%add3A_226, %dma_start3A_235] : memref<819200x128xf32, #tpu.memory_space<hbm>> -> memref<200x128xf32, #tpu.memory_space<hbm>>
      %dma_start3A_237 = arith.constant 0 : i32
      %dma_start3A_238 = arith.constant 0 : i32
      %dma_start3A_239 = tpu.memref_slice %arg9[%add3A_234, %dma_start3A_237, %dma_start3A_238] : memref<32x200x128xf32, #tpu.memory_space<vmem_shared>> -> memref<1x200x128xf32, #tpu.memory_space<vmem_shared>>
      %dma_start3A_240 = tpu.memref_squeeze %dma_start3A_239 : memref<1x200x128xf32, #tpu.memory_space<vmem_shared>> -> memref<200x128xf32, #tpu.memory_space<vmem_shared>>
      tpu.enqueue_dma source(%dma_start3A_240 : memref<200x128xf32, #tpu.memory_space<vmem_shared>>) target(%dma_start3A_236 : memref<200x128xf32, #tpu.memory_space<hbm>>) target_semaphore(%arg13 : memref<!tpu.dma_semaphore, #tpu.memory_space<semaphore_mem>>)
      %add3A_241 = arith.constant 2 : i32
      %add3A_242 = arith.addi %add3A_153, %add3A_241 : i32
      %add3A_243 = arith.constant 1 : i32
      %add3A_244 = arith.addi %add3A_242, %add3A_243 : i32
      %mul3A_245 = arith.constant 200 : i32
      %mul3A_246 = arith.muli %add3A_244, %mul3A_245 : i32
      %add3A_247 = arith.addi %mul3A_2, %mul3A_246 : i32
      "tpu.region"() ({
        %run_scoped3A = tpu.sem_alloc : memref<!tpu.dma_semaphore, #tpu.memory_space<semaphore_mem>>
        %dma_start3A_251 = tpu.memref_slice %arg2[%add3A_247] : memref<819200xi32, #tpu.memory_space<hbm>> -> memref<200xi32, #tpu.memory_space<hbm>>
        %dma_start3A_252 = tpu.memref_slice %arg2[%add3A_247] : memref<819200xi32, #tpu.memory_space<hbm>> -> memref<200xi32, #tpu.memory_space<hbm>>
        tpu.enqueue_dma source(%dma_start3A_252 : memref<200xi32, #tpu.memory_space<hbm>>) target(%arg6 : memref<200xi32, #tpu.memory_space<vmem>>) target_semaphore(%run_scoped3A : memref<!tpu.dma_semaphore, #tpu.memory_space<semaphore_mem>>)
        %dma_wait3A_253 = tpu.memref_slice %arg2[%add3A_247] : memref<819200xi32, #tpu.memory_space<hbm>> -> memref<200xi32, #tpu.memory_space<hbm>>
        %dma_wait3A_254 = tpu.memref_slice %arg2[%add3A_247] : memref<819200xi32, #tpu.memory_space<hbm>> -> memref<200xi32, #tpu.memory_space<hbm>>
        tpu.wait_dma2 semaphore(%run_scoped3A : memref<!tpu.dma_semaphore, #tpu.memory_space<semaphore_mem>>) src(%dma_wait3A_254 : memref<200xi32, #tpu.memory_space<hbm>>) dst(%arg6 : memref<200xi32, #tpu.memory_space<vmem>>)
        tpu.yield
      }) : () -> ()
      %dma_start3A_248 = arith.constant 0 : i32
      %dma_start3A_249 = arith.constant 0 : i32
      %dma_start3A_250 = tpu.memref_slice %arg3[%dma_start3A_248, %dma_start3A_249] : memref<100000x128xf32, #tpu.memory_space<hbm>> -> memref<100000x128xf32, #tpu.memory_space<hbm>>
      tpu.enqueue_indirect_dma source(%dma_start3A_250 : memref<100000x128xf32, #tpu.memory_space<hbm>>) target(%arg8 : memref<200x128xf32, #tpu.memory_space<vmem>>) offsets(%arg6 : memref<200xi32, #tpu.memory_space<vmem>>) semaphore(%arg11 : memref<!tpu.dma_semaphore, #tpu.memory_space<semaphore_mem>>)
    }
    %scan3A_62 = arith.constant 62 : i32
    %dma_wait3A_63 = arith.constant 0 : i32
    %dma_wait3A_64 = arith.constant 0 : i32
    %dma_wait3A_65 = tpu.memref_slice %arg3[%dma_wait3A_63, %dma_wait3A_64] : memref<100000x128xf32, #tpu.memory_space<hbm>> -> memref<100000x128xf32, #tpu.memory_space<hbm>>
    tpu.wait_indirect_dma semaphore(%arg10 : memref<!tpu.dma_semaphore, #tpu.memory_space<semaphore_mem>>) src(%dma_wait3A_65 : memref<100000x128xf32, #tpu.memory_space<hbm>>) dst(%arg7 : memref<200x128xf32, #tpu.memory_space<vmem>>)
    %add3A_66 = arith.constant 24800 : i32
    %add3A_67 = arith.addi %mul3A_2, %add3A_66 : i32
    %mul3A_68 = arith.constant 2 : i32
    %mul3A_69 = arith.muli %arg1, %mul3A_68 : i32
    %add3A_70 = arith.constant 0 : i32
    %add3A_71 = arith.addi %mul3A_69, %add3A_70 : i32
    %dma_wait3A_72 = arith.constant 0 : i32
    %dma_wait3A_73 = tpu.memref_slice %arg4[%add3A_67, %dma_wait3A_72] : memref<819200x128xf32, #tpu.memory_space<hbm>> -> memref<200x128xf32, #tpu.memory_space<hbm>>
    %dma_wait3A_74 = arith.constant 0 : i32
    %dma_wait3A_75 = arith.constant 0 : i32
    %dma_wait3A_76 = tpu.memref_slice %arg9[%add3A_71, %dma_wait3A_74, %dma_wait3A_75] : memref<32x200x128xf32, #tpu.memory_space<vmem_shared>> -> memref<1x200x128xf32, #tpu.memory_space<vmem_shared>>
    %dma_wait3A_77 = tpu.memref_squeeze %dma_wait3A_76 : memref<1x200x128xf32, #tpu.memory_space<vmem_shared>> -> memref<200x128xf32, #tpu.memory_space<vmem_shared>>
    tpu.wait_dma2 semaphore(%arg12 : memref<!tpu.dma_semaphore, #tpu.memory_space<semaphore_mem>>) src(%dma_wait3A_77 : memref<200x128xf32, #tpu.memory_space<vmem_shared>>) dst(%dma_wait3A_73 : memref<200x128xf32, #tpu.memory_space<hbm>>)
    %add3A_78 = arith.constant 25200 : i32
    %add3A_79 = arith.addi %mul3A_2, %add3A_78 : i32
    %mul3A_80 = arith.constant 2 : i32
    %mul3A_81 = arith.muli %arg1, %mul3A_80 : i32
    %add3A_82 = arith.constant 0 : i32
    %add3A_83 = arith.addi %mul3A_81, %add3A_82 : i32
    "tpu.region"() ({
      %run_scoped3A = tpu.sem_alloc : memref<!tpu.dma_semaphore, #tpu.memory_space<semaphore_mem>>
      %dma_start3A_149 = arith.constant 0 : i32
      %dma_start3A_150 = arith.constant 0 : i32
      %dma_start3A_151 = tpu.memref_slice %arg9[%add3A_83, %dma_start3A_149, %dma_start3A_150] : memref<32x200x128xf32, #tpu.memory_space<vmem_shared>> -> memref<1x200x128xf32, #tpu.memory_space<vmem_shared>>
      %dma_start3A_152 = tpu.memref_squeeze %dma_start3A_151 : memref<1x200x128xf32, #tpu.memory_space<vmem_shared>> -> memref<200x128xf32, #tpu.memory_space<vmem_shared>>
      %dma_start3A_153 = arith.constant 0 : i32
      %dma_start3A_154 = arith.constant 0 : i32
      %dma_start3A_155 = tpu.memref_slice %arg9[%add3A_83, %dma_start3A_153, %dma_start3A_154] : memref<32x200x128xf32, #tpu.memory_space<vmem_shared>> -> memref<1x200x128xf32, #tpu.memory_space<vmem_shared>>
      %dma_start3A_156 = tpu.memref_squeeze %dma_start3A_155 : memref<1x200x128xf32, #tpu.memory_space<vmem_shared>> -> memref<200x128xf32, #tpu.memory_space<vmem_shared>>
      tpu.enqueue_dma source(%arg7 : memref<200x128xf32, #tpu.memory_space<vmem>>) target(%dma_start3A_156 : memref<200x128xf32, #tpu.memory_space<vmem_shared>>) target_semaphore(%run_scoped3A : memref<!tpu.dma_semaphore, #tpu.memory_space<semaphore_mem>>)
      %dma_wait3A_157 = arith.constant 0 : i32
      %dma_wait3A_158 = arith.constant 0 : i32
      %dma_wait3A_159 = tpu.memref_slice %arg9[%add3A_83, %dma_wait3A_157, %dma_wait3A_158] : memref<32x200x128xf32, #tpu.memory_space<vmem_shared>> -> memref<1x200x128xf32, #tpu.memory_space<vmem_shared>>
      %dma_wait3A_160 = tpu.memref_squeeze %dma_wait3A_159 : memref<1x200x128xf32, #tpu.memory_space<vmem_shared>> -> memref<200x128xf32, #tpu.memory_space<vmem_shared>>
      %dma_wait3A_161 = arith.constant 0 : i32
      %dma_wait3A_162 = arith.constant 0 : i32
      %dma_wait3A_163 = tpu.memref_slice %arg9[%add3A_83, %dma_wait3A_161, %dma_wait3A_162] : memref<32x200x128xf32, #tpu.memory_space<vmem_shared>> -> memref<1x200x128xf32, #tpu.memory_space<vmem_shared>>
      %dma_wait3A_164 = tpu.memref_squeeze %dma_wait3A_163 : memref<1x200x128xf32, #tpu.memory_space<vmem_shared>> -> memref<200x128xf32, #tpu.memory_space<vmem_shared>>
      tpu.wait_dma2 semaphore(%run_scoped3A : memref<!tpu.dma_semaphore, #tpu.memory_space<semaphore_mem>>) src(%arg7 : memref<200x128xf32, #tpu.memory_space<vmem>>) dst(%dma_wait3A_164 : memref<200x128xf32, #tpu.memory_space<vmem_shared>>)
      tpu.yield
    }) : () -> ()
    %mul3A_84 = arith.constant 2 : i32
    %mul3A_85 = arith.muli %arg1, %mul3A_84 : i32
    %add3A_86 = arith.constant 0 : i32
    %add3A_87 = arith.addi %mul3A_85, %add3A_86 : i32
    %dma_start3A_88 = arith.constant 0 : i32
    %dma_start3A_89 = tpu.memref_slice %arg4[%add3A_79, %dma_start3A_88] : memref<819200x128xf32, #tpu.memory_space<hbm>> -> memref<200x128xf32, #tpu.memory_space<hbm>>
    %dma_start3A_90 = arith.constant 0 : i32
    %dma_start3A_91 = arith.constant 0 : i32
    %dma_start3A_92 = tpu.memref_slice %arg9[%add3A_87, %dma_start3A_90, %dma_start3A_91] : memref<32x200x128xf32, #tpu.memory_space<vmem_shared>> -> memref<1x200x128xf32, #tpu.memory_space<vmem_shared>>
    %dma_start3A_93 = tpu.memref_squeeze %dma_start3A_92 : memref<1x200x128xf32, #tpu.memory_space<vmem_shared>> -> memref<200x128xf32, #tpu.memory_space<vmem_shared>>
    tpu.enqueue_dma source(%dma_start3A_93 : memref<200x128xf32, #tpu.memory_space<vmem_shared>>) target(%dma_start3A_89 : memref<200x128xf32, #tpu.memory_space<hbm>>) target_semaphore(%arg12 : memref<!tpu.dma_semaphore, #tpu.memory_space<semaphore_mem>>)
    %dma_wait3A_94 = arith.constant 0 : i32
    %dma_wait3A_95 = arith.constant 0 : i32
    %dma_wait3A_96 = tpu.memref_slice %arg3[%dma_wait3A_94, %dma_wait3A_95] : memref<100000x128xf32, #tpu.memory_space<hbm>> -> memref<100000x128xf32, #tpu.memory_space<hbm>>
    tpu.wait_indirect_dma semaphore(%arg11 : memref<!tpu.dma_semaphore, #tpu.memory_space<semaphore_mem>>) src(%dma_wait3A_96 : memref<100000x128xf32, #tpu.memory_space<hbm>>) dst(%arg8 : memref<200x128xf32, #tpu.memory_space<vmem>>)
    %add3A_97 = arith.constant 25000 : i32
    %add3A_98 = arith.addi %mul3A_2, %add3A_97 : i32
    %mul3A_99 = arith.constant 2 : i32
    %mul3A_100 = arith.muli %arg1, %mul3A_99 : i32
    %add3A_101 = arith.constant 1 : i32
    %add3A_102 = arith.addi %mul3A_100, %add3A_101 : i32
    %dma_wait3A_103 = arith.constant 0 : i32
    %dma_wait3A_104 = tpu.memref_slice %arg4[%add3A_98, %dma_wait3A_103] : memref<819200x128xf32, #tpu.memory_space<hbm>> -> memref<200x128xf32, #tpu.memory_space<hbm>>
    %dma_wait3A_105 = arith.constant 0 : i32
    %dma_wait3A_106 = arith.constant 0 : i32
    %dma_wait3A_107 = tpu.memref_slice %arg9[%add3A_102, %dma_wait3A_105, %dma_wait3A_106] : memref<32x200x128xf32, #tpu.memory_space<vmem_shared>> -> memref<1x200x128xf32, #tpu.memory_space<vmem_shared>>
    %dma_wait3A_108 = tpu.memref_squeeze %dma_wait3A_107 : memref<1x200x128xf32, #tpu.memory_space<vmem_shared>> -> memref<200x128xf32, #tpu.memory_space<vmem_shared>>
    tpu.wait_dma2 semaphore(%arg13 : memref<!tpu.dma_semaphore, #tpu.memory_space<semaphore_mem>>) src(%dma_wait3A_108 : memref<200x128xf32, #tpu.memory_space<vmem_shared>>) dst(%dma_wait3A_104 : memref<200x128xf32, #tpu.memory_space<hbm>>)
    %add3A_109 = arith.constant 25400 : i32
    %add3A_110 = arith.addi %mul3A_2, %add3A_109 : i32
    %mul3A_111 = arith.constant 2 : i32
    %mul3A_112 = arith.muli %arg1, %mul3A_111 : i32
    %add3A_113 = arith.constant 1 : i32
    %add3A_114 = arith.addi %mul3A_112, %add3A_113 : i32
    "tpu.region"() ({
      %run_scoped3A = tpu.sem_alloc : memref<!tpu.dma_semaphore, #tpu.memory_space<semaphore_mem>>
      %dma_start3A_149 = arith.constant 0 : i32
      %dma_start3A_150 = arith.constant 0 : i32
      %dma_start3A_151 = tpu.memref_slice %arg9[%add3A_114, %dma_start3A_149, %dma_start3A_150] : memref<32x200x128xf32, #tpu.memory_space<vmem_shared>> -> memref<1x200x128xf32, #tpu.memory_space<vmem_shared>>
      %dma_start3A_152 = tpu.memref_squeeze %dma_start3A_151 : memref<1x200x128xf32, #tpu.memory_space<vmem_shared>> -> memref<200x128xf32, #tpu.memory_space<vmem_shared>>
      %dma_start3A_153 = arith.constant 0 : i32
      %dma_start3A_154 = arith.constant 0 : i32
      %dma_start3A_155 = tpu.memref_slice %arg9[%add3A_114, %dma_start3A_153, %dma_start3A_154] : memref<32x200x128xf32, #tpu.memory_space<vmem_shared>> -> memref<1x200x128xf32, #tpu.memory_space<vmem_shared>>
      %dma_start3A_156 = tpu.memref_squeeze %dma_start3A_155 : memref<1x200x128xf32, #tpu.memory_space<vmem_shared>> -> memref<200x128xf32, #tpu.memory_space<vmem_shared>>
      tpu.enqueue_dma source(%arg8 : memref<200x128xf32, #tpu.memory_space<vmem>>) target(%dma_start3A_156 : memref<200x128xf32, #tpu.memory_space<vmem_shared>>) target_semaphore(%run_scoped3A : memref<!tpu.dma_semaphore, #tpu.memory_space<semaphore_mem>>)
      %dma_wait3A_157 = arith.constant 0 : i32
      %dma_wait3A_158 = arith.constant 0 : i32
      %dma_wait3A_159 = tpu.memref_slice %arg9[%add3A_114, %dma_wait3A_157, %dma_wait3A_158] : memref<32x200x128xf32, #tpu.memory_space<vmem_shared>> -> memref<1x200x128xf32, #tpu.memory_space<vmem_shared>>
      %dma_wait3A_160 = tpu.memref_squeeze %dma_wait3A_159 : memref<1x200x128xf32, #tpu.memory_space<vmem_shared>> -> memref<200x128xf32, #tpu.memory_space<vmem_shared>>
      %dma_wait3A_161 = arith.constant 0 : i32
      %dma_wait3A_162 = arith.constant 0 : i32
      %dma_wait3A_163 = tpu.memref_slice %arg9[%add3A_114, %dma_wait3A_161, %dma_wait3A_162] : memref<32x200x128xf32, #tpu.memory_space<vmem_shared>> -> memref<1x200x128xf32, #tpu.memory_space<vmem_shared>>
      %dma_wait3A_164 = tpu.memref_squeeze %dma_wait3A_163 : memref<1x200x128xf32, #tpu.memory_space<vmem_shared>> -> memref<200x128xf32, #tpu.memory_space<vmem_shared>>
      tpu.wait_dma2 semaphore(%run_scoped3A : memref<!tpu.dma_semaphore, #tpu.memory_space<semaphore_mem>>) src(%arg8 : memref<200x128xf32, #tpu.memory_space<vmem>>) dst(%dma_wait3A_164 : memref<200x128xf32, #tpu.memory_space<vmem_shared>>)
      tpu.yield
    }) : () -> ()
    %mul3A_115 = arith.constant 2 : i32
    %mul3A_116 = arith.muli %arg1, %mul3A_115 : i32
    %add3A_117 = arith.constant 1 : i32
    %add3A_118 = arith.addi %mul3A_116, %add3A_117 : i32
    %dma_start3A_119 = arith.constant 0 : i32
    %dma_start3A_120 = tpu.memref_slice %arg4[%add3A_110, %dma_start3A_119] : memref<819200x128xf32, #tpu.memory_space<hbm>> -> memref<200x128xf32, #tpu.memory_space<hbm>>
    %dma_start3A_121 = arith.constant 0 : i32
    %dma_start3A_122 = arith.constant 0 : i32
    %dma_start3A_123 = tpu.memref_slice %arg9[%add3A_118, %dma_start3A_121, %dma_start3A_122] : memref<32x200x128xf32, #tpu.memory_space<vmem_shared>> -> memref<1x200x128xf32, #tpu.memory_space<vmem_shared>>
    %dma_start3A_124 = tpu.memref_squeeze %dma_start3A_123 : memref<1x200x128xf32, #tpu.memory_space<vmem_shared>> -> memref<200x128xf32, #tpu.memory_space<vmem_shared>>
    tpu.enqueue_dma source(%dma_start3A_124 : memref<200x128xf32, #tpu.memory_space<vmem_shared>>) target(%dma_start3A_120 : memref<200x128xf32, #tpu.memory_space<hbm>>) target_semaphore(%arg13 : memref<!tpu.dma_semaphore, #tpu.memory_space<semaphore_mem>>)
    %add3A_125 = arith.constant 25200 : i32
    %add3A_126 = arith.addi %mul3A_2, %add3A_125 : i32
    %mul3A_127 = arith.constant 2 : i32
    %mul3A_128 = arith.muli %arg1, %mul3A_127 : i32
    %add3A_129 = arith.constant 0 : i32
    %add3A_130 = arith.addi %mul3A_128, %add3A_129 : i32
    %dma_wait3A_131 = arith.constant 0 : i32
    %dma_wait3A_132 = tpu.memref_slice %arg4[%add3A_126, %dma_wait3A_131] : memref<819200x128xf32, #tpu.memory_space<hbm>> -> memref<200x128xf32, #tpu.memory_space<hbm>>
    %dma_wait3A_133 = arith.constant 0 : i32
    %dma_wait3A_134 = arith.constant 0 : i32
    %dma_wait3A_135 = tpu.memref_slice %arg9[%add3A_130, %dma_wait3A_133, %dma_wait3A_134] : memref<32x200x128xf32, #tpu.memory_space<vmem_shared>> -> memref<1x200x128xf32, #tpu.memory_space<vmem_shared>>
    %dma_wait3A_136 = tpu.memref_squeeze %dma_wait3A_135 : memref<1x200x128xf32, #tpu.memory_space<vmem_shared>> -> memref<200x128xf32, #tpu.memory_space<vmem_shared>>
    tpu.wait_dma2 semaphore(%arg12 : memref<!tpu.dma_semaphore, #tpu.memory_space<semaphore_mem>>) src(%dma_wait3A_136 : memref<200x128xf32, #tpu.memory_space<vmem_shared>>) dst(%dma_wait3A_132 : memref<200x128xf32, #tpu.memory_space<hbm>>)
    %add3A_137 = arith.constant 25400 : i32
    %add3A_138 = arith.addi %mul3A_2, %add3A_137 : i32
    %mul3A_139 = arith.constant 2 : i32
    %mul3A_140 = arith.muli %arg1, %mul3A_139 : i32
    %add3A_141 = arith.constant 1 : i32
    %add3A_142 = arith.addi %mul3A_140, %add3A_141 : i32
    %dma_wait3A_143 = arith.constant 0 : i32
    %dma_wait3A_144 = tpu.memref_slice %arg4[%add3A_138, %dma_wait3A_143] : memref<819200x128xf32, #tpu.memory_space<hbm>> -> memref<200x128xf32, #tpu.memory_space<hbm>>
    %dma_wait3A_145 = arith.constant 0 : i32
    %dma_wait3A_146 = arith.constant 0 : i32
    %dma_wait3A_147 = tpu.memref_slice %arg9[%add3A_142, %dma_wait3A_145, %dma_wait3A_146] : memref<32x200x128xf32, #tpu.memory_space<vmem_shared>> -> memref<1x200x128xf32, #tpu.memory_space<vmem_shared>>
    %dma_wait3A_148 = tpu.memref_squeeze %dma_wait3A_147 : memref<1x200x128xf32, #tpu.memory_space<vmem_shared>> -> memref<200x128xf32, #tpu.memory_space<vmem_shared>>
    tpu.wait_dma2 semaphore(%arg13 : memref<!tpu.dma_semaphore, #tpu.memory_space<semaphore_mem>>) src(%dma_wait3A_148 : memref<200x128xf32, #tpu.memory_space<vmem_shared>>) dst(%dma_wait3A_144 : memref<200x128xf32, #tpu.memory_space<hbm>>)
    return
  }
}

</mosaic_0001>

<sc_bundles>
// kernel: kernel.3.cloned.1.call-start
scs
__scs_entry_jumppad:
0x0: {  	(pc) =	sbr.rel $0x88, $3  }
0x1: {  	(tag) =	ssettag $0x0;
	lr =	simm.s32 $0x1  }
0x2: {  	[smem:$0x3F9F] =	sst lr;
	_ =	strace $0xD0000000  }
0x3: {  	_ = 	snop  }
0x4: {  	_ = 	snop  }
0x5: {  	_ = 	snop  }
0x6: {  	_ = 	snop  }
0x7: {  	_ = 	snop  }
__scs_overlays_trampoline_lowered:
0x8: {  	[smem:$0x3FAE] =	sst s0  }
0x9: {  	[smem:$0x3FAF] =	sst s1  }
0xa: {  	[smem:$0x3FB0] =	sst s2  }
0xb: {  	[smem:$0x3FB1] =	sst s3  }
0xc: {  	[smem:$0x3FB2] =	sst s4  }
0xd: {  	[smem:$0x3FB3] =	sst s5  }
0xe: {  	[smem:$0x3FB4] =	sst s6  }
0xf: {  	[smem:$0x3FB5] =	sst s7  }
0x10: {  	[smem:$0x3FB6] =	sst s8  }
0x11: {  	[smem:$0x3FB7] =	sst s9;
	s0 =	simm.s32 @!p0 $0x0  }
0x12: {  	s1 =	sld [smem:$0x3F9D];
	s0 =	simm.s32 @p0 $0x1  }
0x13: {  	[smem:$0x3FB8] =	sst s0;
	s0 =	simm.s32 @!p1 $0x0  }
0x14: {  	s2 =	sld [smem:$0x3F9C];
	s0 =	simm.s32 @p1 $0x1  }
0x15: {  	[smem:$0x3FB9] =	sst s0;
	s0 =	simm.s32 @!p2 $0x0  }
0x16: {  	s3 =	sld [smem:$0x3FDB];
	s0 =	simm.s32 @p2 $0x1  }
0x17: {  	s4 =	simm.s32 $0x1BF5;
	[smem:$0x3FBB] =	sst s0  }
0x18: {  	s0 =	sld [smem:$0x3F9E];
	_ =	swait.ge [sflag:s4], $0x0  }
0x19: {  	s7 =	sld [smem:$0x3F9F]  }
0x1a: {  	s8 =	sadd.s32 $0xFFFFE003, lr  }
0x1b: {  	s9 =	sadd.s32 $0xFFFFFEF7, lr;
	s5 =	simm.s32 $0xFFFFFFFF;
	p2 =	slt.u32 s8, $0xFFFFF086  }
0x1c: {  	p1 =	slt.u32 s9, $0xF7A;
	s5 =	simm.s32 @!p2 $0x0  }
0x1d: {  	s5 =	simm.s32 @p1 $0x1;
	p0 =	seq.s32 s7, s2  }
0x1e: {  	s7 =	smul.u32 @!p0 $0xF7A, s2;
	p2 =	seq.s32 @!p0 s5, $0x0  }
0x1f: {  	s9 =	smul.u32 $0xF7A, s1;
	s8 =	simm.s32 @!p0 $0x1BF5;
	p2 =	por !p2, p0  }
0x20: {  	[sflag:s8] =	ssyncset.s32 @!p0 $0xFFFFF086;
	s6 =	sadd.s32 @!p0 s3, s7;
	s7 =	simm.s32 @!p0 $0x108  }
0x21: {  	s3 =	sadd.s32 s3, s9;
	s6 =	sadd.s32 @!p0 $0x88, s6;
	s7 =	simm.s32 @p2 $0x1082  }
0x22: {  	[simem:s7], [sflag:s8] =	dma.local @!p0 [hbm:s6], $0xF7A  }
0x23: {  	s9 =	sor.u32 $0xD0000000, s2;
	s6 =	simm.s32 $0x108;
	_ =	swait.ge @!p0 [sflag:s8], $0x0  }
0x24: {  	s3 =	sadd.s32 $0x88, s3;
	s6 =	simm.s32 @!p1 $0x1082;
	[sflag:s4] =	ssyncset.s32 $0xFFFFF086  }
0x25: {  	[simem:s6], [sflag:s4] =	dma.local [hbm:s3], $0xF7A  }
0x26: {  	[smem:$0x3F9F] =	sst s1;
	(tag) =	ssettag s2;
	_ =	strace s9  }
0x27: {  	s1 =	sld [smem:$0x3FAF]  }
0x28: {  	s2 =	sld [smem:$0x3FB0]  }
0x29: {  	s4 =	sld [smem:$0x3FB2]  }
0x2a: {  	p0 =	seq.s32 s5, $0x0;
	s5 =	sld [smem:$0x3FB3]  }
0x2b: {  	s6 =	sld [smem:$0x3FB4]  }
0x2c: {  	s7 =	sld [smem:$0x3FB5]  }
0x2d: {  	s3 =	simm.s32 $0x108;
	s8 =	sld [smem:$0x3FB6]  }
0x2e: {  	s3 =	simm.s32 @!p0 $0x1082;
	s9 =	sld [smem:$0x3FB7]  }
0x2f: {  	lr =	sadd.s32 s0, s3;
	s0 =	sld [smem:$0x3FAE]  }
0x30: {  	s3 =	sld [smem:$0x3FB1]  }
0x31: {  	[smem:$0x3FBA] =	sst s10  }
0x32: {  	s10 =	sld [smem:$0x3FB8];
	_ =	sdelay $0x3  }
0x33: {  	p0 =	seq.s32 s10, $0x1;
	s10 =	sld [smem:$0x3FBA];
	_ =	sdelay $0x3  }
0x34: {  	[smem:$0x3FBA] =	sst s10  }
0x35: {  	s10 =	sld [smem:$0x3FB9];
	_ =	sdelay $0x3  }
0x36: {  	p1 =	seq.s32 s10, $0x1;
	s10 =	sld [smem:$0x3FBA];
	_ =	sdelay $0x3  }
0x37: {  	[smem:$0x3FBA] =	sst s10  }
0x38: {  	s10 =	sld [smem:$0x3FBB]  }
0x39: {  	_ = 	snop;
	(pc) =	sbr.ind lr, $3  }
0x3a: {  	_ = 	snop  }
0x3b: {  	_ = 	snop  }
0x3c: {  	p2 =	seq.s32 s10, $0x1;
	s10 =	sld [smem:$0x3FBA]  }
0x3d: {  	_ =	shalt  }
0x3e: {  	_ =	shalt  }
0x3f: {  	_ =	shalt  }
0x40: {  	_ =	shalt  }
0x41: {  	_ =	shalt  }
0x42: {  	_ =	shalt  }
0x43: {  	_ =	shalt  }
0x44: {  	_ =	shalt  }
0x45: {  	_ =	shalt  }
0x46: {  	_ =	shalt  }
0x47: {  	_ =	shalt  }
0x48: {  	_ =	shalt  }
0x49: {  	_ =	shalt  }
0x4a: {  	_ =	shalt  }
0x4b: {  	_ =	shalt  }
0x4c: {  	_ =	shalt  }
0x4d: {  	_ =	shalt  }
0x4e: {  	_ =	shalt  }
0x4f: {  	_ =	shalt  }
0x50: {  	_ =	shalt  }
0x51: {  	_ =	shalt  }
0x52: {  	_ =	shalt  }
0x53: {  	_ =	shalt  }
0x54: {  	_ =	shalt  }
0x55: {  	_ =	shalt  }
0x56: {  	_ =	shalt  }
0x57: {  	_ =	shalt  }
0x58: {  	_ =	shalt  }
0x59: {  	_ =	shalt  }
0x5a: {  	_ =	shalt  }
0x5b: {  	_ =	shalt  }
0x5c: {  	_ =	shalt  }
0x5d: {  	_ =	shalt  }
0x5e: {  	_ =	shalt  }
0x5f: {  	_ =	shalt  }
0x60: {  	_ =	shalt  }
0x61: {  	_ =	shalt  }
0x62: {  	_ =	shalt  }
0x63: {  	_ =	shalt  }
0x64: {  	_ =	shalt  }
0x65: {  	_ =	shalt  }
0x66: {  	_ =	shalt  }
0x67: {  	_ =	shalt  }
0x68: {  	_ =	shalt  }
0x69: {  	_ =	shalt  }
0x6a: {  	_ =	shalt  }
0x6b: {  	_ =	shalt  }
0x6c: {  	_ =	shalt  }
0x6d: {  	_ =	shalt  }
0x6e: {  	_ =	shalt  }
0x6f: {  	_ =	shalt  }
0x70: {  	_ =	shalt  }
0x71: {  	_ =	shalt  }
0x72: {  	_ =	shalt  }
0x73: {  	_ =	shalt  }
0x74: {  	_ =	shalt  }
0x75: {  	_ =	shalt  }
0x76: {  	_ =	shalt  }
0x77: {  	_ =	shalt  }
0x78: {  	_ =	shalt  }
0x79: {  	_ =	shalt  }
0x7a: {  	_ =	shalt  }
0x7b: {  	_ =	shalt  }
0x7c: {  	_ =	shalt  }
0x7d: {  	_ =	shalt  }
0x7e: {  	_ =	shalt  }
0x7f: {  	_ =	shalt  }
0x80: {  	_ =	shalt  }
0x81: {  	_ =	shalt  }
0x82: {  	_ =	shalt  }
0x83: {  	_ =	shalt  }
0x84: {  	_ =	shalt  }
0x85: {  	_ =	shalt  }
0x86: {  	_ =	shalt  }
0x87: {  	_ =	shalt  }
.Lfunc_end0:
.L_simem_size_0:
called_computation_lowered:
.L_overlay_start_0:
0x88: {  	s2 =	sld [smem:$0x3FD9]  }
0x89: {  	s3 =	sld [smem:$0x3FFE];
	_ =	sdelay $0x1  }
0x8a: {  	s1 =	srdreg.scid  }
0x8b: {  	s0 =	sand.u32 $0x1, s1  }
0x8c: {  	s17 =	sshll.u32 s0, $0xA;
	s2 =	sadd.s32 s3, s2  }
0x8d: {  	s2 =	sadd.s32 s2, s17  }
0x8e: {  	[smem:$0x3FC6] =	sst s2  }
0x8f: {  	_ = 	snop  }
0x90: {  	s2 =	sld [smem:$0x3FC8]  }
0x91: {  	s18 =	sld [smem:$0x3FD0];
	(tm) =	ssettm $0x1  }
0x92: {  	s4 =	sld [smem:$0x3FFB];
	_ =	sdelay $0x3  }
0x93: {  	_ =	strace s4  }
0x94: {  	s4 =	sld [smem:$0x3FFC];
	_ =	sdelay $0x3  }
0x95: {  	_ =	strace s4  }
0x96: {  	s4 =	sld [smem:$0x3FFD];
	_ =	sdelay $0x3  }
0x97: {  	_ =	strace s4  }
0x98: {  	_ =	strace $0x8FFFFFFF  }
0x99: {  	s19 =	sld [smem:$0x3FDB];
	_ =	sdelay $0x1  }
0x9a: {  	s5 =	simm.s32 $_scs_section_size  }
0x9b: {  	s6 =	simm.s32 $_size__tile_overlayer_lowered;
	s7 =	simm.s32 $_tile_overlayer_lowered  }
0x9c: {  	s22 =	simm.s32 $0x1BFF;
	s21 =	sshll.u32 s7, $0x1;
	s4 =	sadd.s32 s5, s19  }
0x9d: {  	s8 =	simm.s32 $0x0;
	s20 =	sshll.u32 s6, $0x1;
	s6 =	sadd.s32 s21, s4  }
0x9e: {  	[timem:s8], [sflag:s22] =	dma.local [hbm:s6], s20  }
0x9f: {  	_ =	swait.ge [sflag:s22], s20  }
0xa0: {  	s5 =	ssub.s32 $0x0, s20;
	[sflag:s22] =	ssyncset.done $0x0  }
0xa1: {  	[sflag:s22] =	ssyncadd.s32 s5;
	_ =	sdelay $0x1  }
0xa2: {  	s23 =	simm.s32 $0x1B8B  }
0xa3: {  	_ =	swait.ge [sflag:s23], $0x1  }
0xa4: {  	[sflag:s23] =	ssyncset.done $0x0  }
0xa5: {  	s25 =	simm.s32 $0x1B8E;
	s24 =	sld [smem:$0x3FFE];
	[sflag:s23] =	ssyncadd.s32 $0xFFFFFFFF  }
0xa6: {  	s26 =	simm.s32 $execute0_lowered;
	[smem:$0x3FD2] =	sst s25  }
0xa7: {  	s6 =	sshll.u32 s26, $0x1;
	_ =	strace $0x80000046;
	[dreg:$0x1] =	wrdreg $0xFFFFFFFF  }
0xa8: {  	s28 =	simm.s32 $_size_execute0_lowered;
	s4 =	sadd.s32 s4, s6;
	[dreg:$0x0] =	wrdreg $0x0  }
0xa9: {  	s6 =	sshll.u32 s28, $0x1;
	[dreg:$0x2] =	wrdreg s4  }
0xaa: {  	[dreg:$0x3] =	wrdreg s6  }
0xab: {  	[dreg:$0x4] =	wrdreg $0xC0  }
0xac: {  	_ =	task [dreg:s8], $0x5FFFF  }
0xad: {  	[dreg:$0x1] =	wrdreg $0xFFFFFFFF  }
0xae: {  	[dreg:$0x0] =	wrdreg $0x60  }
0xaf: {  	[dreg:$0x2] =	wrdreg s24  }
0xb0: {  	[dreg:$0x3] =	wrdreg s2  }
0xb1: {  	[dreg:$0x4] =	wrdreg s18  }
0xb2: {  	[dreg:$0x5] =	wrdreg $0xCA000  }
0xb3: {  	[dreg:$0x6] =	wrdreg $0x9  }
0xb4: {  	_ =	task.clear_ibuf [dreg:s8], $0x7FFFF;
	_ =	strace $0x90000046  }
0xb5: {  	s29 =	simm.s32 $0x9;
	_ =	strace $0x80000048  }
0xb6: {  	_ =	swait.ge [sflag:s29], $0x1  }
0xb7: {  	[sflag:s29] =	ssyncadd.s32 $0xFFFFFFFF  }
0xb8: {  	_ =	strace $0x90000048  }
0xb9: {  	_ =	sfence  }
0xba: {  	s30 =	sld [smem:$0x0];
	_ =	sdelay $0x2  }
0xbb: {  	s31 =	sshll.u32 s1, $0xD;
	s1 =	sshrl.u32 s1, $0x2  }
0xbc: {  	s3 =	sand.u32 $0x4000, s31;
	s1 =	sadd.s32 s1, s30  }
0xbd: {  	s0 =	sor.u32 s3, s0;
	s1 =	sshll.u32 s1, $0x11  }
0xbe: {  	s0 =	sor.u32 s1, s0  }
0xbf: {  	s0 =	sadd.s32 $0x8F2B, s0  }
0xc0: {  	[sflag:s0] =	ssyncadd.remote.s32 $0x1  }
0xc1: {  	_ =	sfence.sel $0xFFFF  }
0xc2: {  	[dreg:$0x0] =	wrdreg $0xFFFFFFFF;
	(pc) =	sbr.abs _section_cstart, $3  }
0xc3: {  	[dreg:$0x1] =	wrdreg $0xFFFFFFFF  }
0xc4: {  	_ =	task.clear_ibuf [dreg:s8], $0x2FFFF;
	_ =	strace $0x9FFFFFFF  }
0xc5: {  	(tm) =	ssettm $0x7FFFFFFF  }
tec
execute0_lowered:
.L_overlay_start_1:
0x0: {  	(tag) =	ssettag $0x1  }
0x1: {  	s0 =	rddreg [dreg:$0x0]  }
0x2: {  	s2 =	rddreg [dreg:$0x1];
	s18 =	stileid.u32  }
0x3: {  	s1 =	rddreg [dreg:$0x2];
	s21 =	smul.u32 $0x32000, s18  }
0x4: {  	s3 =	srdreg.scid;
	s16 =	smul.u32 $0xC800, s18  }
0x5: {  	s5 =	rddreg [dreg:$0x3];
	s15 =	sand.u32 $0x1, s3;
	s29 =	smul.u32 $0xC8000, s18  }
0x6: {  	s28 =	simm.s32 $0x0;
	s4 =	sshll.u32 s18, $0x1;
	s17 =	smul.u32 $0x6400, s15  }
0x7: {  	s3 =	simm.s32 $0x0;
	s7 =	sor.u32 s15, s4;
	s30 =	smul.u32 $0x64000, s15  }
0x8: {  	s0 =	sadd.s32 $0x400, s0;
	s18 =	simm.s32 $0x5;
	s8 =	smul.u32 $0x6400, s7  }
0x9: {  	s6 =	ssub.s32 $0x2, s15;
	[smem:$0x7FF] =	sst s3;
	s9 =	smul.u32 $0x64000, s7  }
0xa: {  	s19 =	sshrl.u32 s6, $0x1;
	_ =	strace $0x80000047;
	s11 =	smul.u32 $0x320000, s7  }
0xb: {  	s14 =	ssub.s32 s6, s19;
	s6 =	sshrl.u32 s21, $0x2;
	s26 =	sadd.s32 s17, s16  }
0xc: {  	s19 =	simm.s32 $0xC8;
	s21 =	simm.s32 $0x100;
	s20 =	sshrl.u32 s8, $0x3  }
0xd: {  	s10 =	sor.u32 $0xC8, s8;
	s6 =	sadd.s32 s6, s5;
	s22 =	sadd.s32 s1, s9  }
0xe: {  	s24 =	sshrl.u32 s11, $0x3;
	s14 =	smax.u32 s14, $0x1;
	s17 =	sor.u32 $0x3E8, s26  }
0xf: {  	s4 =	sadd.s32 s0, s20;
	s8 =	sshrl.u32 s10, $0x3;
	[dreg:$0x6] =	wrdreg s22  }
0x10: {  	s9 =	sadd.s32 $0x6400, s6;
	s10 =	sshll.u32 s10, $0x4;
	s5 =	sadd.s32 s1, s24  }
0x11: {  	s31 =	sshrl.u32 s17, $0x3;
	s20 =	simm.s32 $0x200;
	s22 =	simm.s32 $0x6600  }
0x12: {  	s24 =	simm.s32 $0x2;
	s8 =	sadd.s32 s0, s8;
	s23 =	sadd.s32 $0x32, s4  }
0x13: {  	s25 =	sadd.s32 s1, s10;
	s10 =	smov.u32 s4;
	s11 =	sadd.s32 $0x4B, s4  }
0x14: {  	s12 =	sadd.s32 $0x62700, s5;
	s13 =	sadd.s32 $0x63380, s5;
	[dreg:$0x5] =	wrdreg s8  }
0x15: {  	s1 =	sadd.s32 s29, s1;
	s5 =	sor.u32 $0x320, s26;
	[dreg:$0x7] =	wrdreg s23  }
0x16: {  	s15 =	sadd.s32 s31, s0;
	s26 =	simm.s32 $0x4;
	[dreg:$0x8] =	wrdreg s25  }
0x17: {  	s1 =	sadd.s32 s30, s1;
	s5 =	sshrl.u32 s5, $0x3;
	s23 =	simm.s32 $0x1  }
0x18: {  	s25 =	simm.s32 $0x3;
	s16 =	sadd.s32 $0x2580, s1;
	s17 =	sadd.s32 s5, s0  }
.LBB2_1:
0x19: {  	[tilespmem:s3], [sflag:$0x5] =	stream.linear.gather [hbm4b:s10+s3], $0xC8, $0x38;
	[tilespmem:$0x19200] =	vst v63  }
0x1a: {  	_ =	swait.ge [sflag:s18], $0xC8  }
0x1b: {  	[sflag:s18] =	ssyncset.done $0x0  }
0x1c: {  	[sflag:s18] =	ssyncadd.s32 $0xFFFFFF38  }
0x1d: {  	[tilespmem:s20], [sflag:$0x1] =	stream.indirect.gather [hbm4b:s2+s19], $0x80, s3, s19, $0xb8;
	[tilespmem:$0x19200] =	vst v63  }
0x1e: {  	s0 =	rddreg [dreg:$0x5]  }
0x1f: {  	[tilespmem:s21], [sflag:$0x5] =	stream.linear.gather [hbm4b:s0+s3], $0xC8, $0x38;
	[tilespmem:$0x19200] =	vst v63  }
0x20: {  	_ =	swait.ge [sflag:s18], $0xC8  }
0x21: {  	[sflag:s18] =	ssyncset.done $0x0  }
0x22: {  	[sflag:s18] =	ssyncadd.s32 $0xFFFFFF38  }
0x23: {  	[tilespmem:s22], [sflag:$0x2] =	stream.indirect.gather [hbm4b:s2+s19], $0x80, s21, s19, $0xb8;
	[tilespmem:$0x19200] =	vst v63  }
0x24: {  	_ =	swait.ge [sflag:s23], $0x6400  }
0x25: {  	[sflag:s23] =	ssyncset.done $0x0  }
0x26: {  	[sflag:s23] =	ssyncadd.s32 $0xFFFF9C00  }
0x27: {  	[spmem:s6] =	stream.linear.scatter [tilespmem:s20], [sflag:$0x5], $0x6400, $0x38;
	[tilespmem:$0x19200] =	vst v63  }
0x28: {  	s4 =	stileid.u32;
	_ =	swait.ge [sflag:s18], $0x6400  }
0x29: {  	s30 =	sshrl.u32 s6, $0x3;
	s0 =	sshll.u32 s4, $0x6;
	[sflag:s18] =	ssyncset.done $0x0  }
0x2a: {  	s29 =	sor.u32 $0x1C03, s0;
	s1 =	rddreg [dreg:$0x6];
	[sflag:s18] =	ssyncadd.s32 $0xFFFF9C00  }
0x2b: {  	[hbm:s1], [sflag:s29] =	dma.local [spmem:s30], $0xC80  }
0x2c: {  	s1 =	rddreg [dreg:$0x7]  }
0x2d: {  	[tilespmem:s3], [sflag:$0x5] =	stream.linear.gather [hbm4b:s1+s3], $0xC8, $0x38;
	[tilespmem:$0x19200] =	vst v63  }
0x2e: {  	_ =	swait.ge [sflag:s18], $0xC8  }
0x2f: {  	[sflag:s18] =	ssyncset.done $0x0  }
0x30: {  	[sflag:s18] =	ssyncadd.s32 $0xFFFFFF38  }
0x31: {  	[tilespmem:s20], [sflag:$0x1] =	stream.indirect.gather [hbm4b:s2+s19], $0x80, s3, s19, $0xb8;
	[tilespmem:$0x19200] =	vst v63  }
0x32: {  	_ =	swait.ge [sflag:s24], $0x6400  }
0x33: {  	[sflag:s24] =	ssyncset.done $0x0  }
0x34: {  	[sflag:s24] =	ssyncadd.s32 $0xFFFF9C00  }
0x35: {  	[spmem:s9] =	stream.linear.scatter [tilespmem:s22], [sflag:$0x5], $0x6400, $0x38;
	[tilespmem:$0x19200] =	vst v63  }
0x36: {  	_ =	swait.ge [sflag:s18], $0x6400  }
0x37: {  	s31 =	sor.u32 $0x1C04, s0;
	[sflag:s18] =	ssyncset.done $0x0  }
0x38: {  	s0 =	sshrl.u32 s9, $0x3;
	s5 =	rddreg [dreg:$0x8];
	[sflag:s18] =	ssyncadd.s32 $0xFFFF9C00  }
0x39: {  	[hbm:s5], [sflag:s31] =	dma.local [spmem:s0], $0xC80  }
0x3a: {  	[tilespmem:s21], [sflag:$0x5] =	stream.linear.gather [hbm4b:s11+s3], $0xC8, $0x38;
	[tilespmem:$0x19200] =	vst v63  }
0x3b: {  	_ =	swait.ge [sflag:s18], $0xC8  }
0x3c: {  	[sflag:s18] =	ssyncset.done $0x0  }
0x3d: {  	[sflag:s18] =	ssyncadd.s32 $0xFFFFFF38  }
0x3e: {  	[tilespmem:s22], [sflag:$0x2] =	stream.indirect.gather [hbm4b:s2+s19], $0x80, s21, s19, $0xb8;
	[tilespmem:$0x19200] =	vst v63  }
0x3f: {  	_ =	swait.ge [sflag:s23], $0x6400  }
0x40: {  	[sflag:s23] =	ssyncset.done $0x0  }
0x41: {  	[sflag:s23] =	ssyncadd.s32 $0xFFFF9C00  }
0x42: {  	_ =	swait.ge [sflag:s25], $0xC80  }
0x43: {  	[sflag:s25] =	ssyncset.done $0x0  }
0x44: {  	[sflag:s25] =	ssyncadd.s32 $0xFFFFF380  }
0x45: {  	[spmem:s6] =	stream.linear.scatter [tilespmem:s20], [sflag:$0x5], $0x6400, $0x38;
	[tilespmem:$0x19200] =	vst v63  }
0x46: {  	_ =	swait.ge [sflag:s18], $0x6400  }
0x47: {  	[sflag:s18] =	ssyncset.done $0x0  }
0x48: {  	s7 =	sadd.s32 $0xFFFFF380, s16;
	s5 =	sadd.s32 $0x0, s17;
	[sflag:s18] =	ssyncadd.s32 $0xFFFF9C00  }
0x49: {  	[hbm:s7], [sflag:s29] =	dma.local [spmem:s30], $0xC80  }
0x4a: {  	[tilespmem:s3], [sflag:$0x5] =	stream.linear.gather [hbm4b:s5+s3], $0xC8, $0x38;
	[tilespmem:$0x19200] =	vst v63  }
0x4b: {  	_ =	swait.ge [sflag:s18], $0xC8  }
0x4c: {  	[sflag:s18] =	ssyncset.done $0x0  }
0x4d: {  	[sflag:s18] =	ssyncadd.s32 $0xFFFFFF38  }
0x4e: {  	[tilespmem:s20], [sflag:$0x1] =	stream.indirect.gather [hbm4b:s2+s19], $0x80, s3, s19, $0xb8;
	[tilespmem:$0x19200] =	vst v63  }
0x4f: {  	_ =	swait.ge [sflag:s24], $0x6400  }
0x50: {  	[sflag:s24] =	ssyncset.done $0x0  }
0x51: {  	[sflag:s24] =	ssyncadd.s32 $0xFFFF9C00  }
0x52: {  	_ =	swait.ge [sflag:s26], $0xC80  }
0x53: {  	[sflag:s26] =	ssyncset.done $0x0  }
0x54: {  	[sflag:s26] =	ssyncadd.s32 $0xFFFFF380  }
0x55: {  	[spmem:s9] =	stream.linear.scatter [tilespmem:s22], [sflag:$0x5], $0x6400, $0x38;
	[tilespmem:$0x19200] =	vst v63  }
0x56: {  	_ =	swait.ge [sflag:s18], $0x6400  }
0x57: {  	[sflag:s18] =	ssyncset.done $0x0  }
0x58: {  	s8 =	sadd.s32 $0x0, s15;
	[sflag:s18] =	ssyncadd.s32 $0xFFFF9C00  }
0x59: {  	[hbm:s16], [sflag:s31] =	dma.local [spmem:s0], $0xC80  }
0x5a: {  	[tilespmem:s21], [sflag:$0x5] =	stream.linear.gather [hbm4b:s8+s3], $0xC8, $0x38;
	[tilespmem:$0x19200] =	vst v63  }
0x5b: {  	_ =	swait.ge [sflag:s18], $0xC8  }
0x5c: {  	[sflag:s18] =	ssyncset.done $0x0  }
0x5d: {  	s1 =	simm.s32 $0x32;
	s5 =	sadd.s32 $0x1900, s16;
	[sflag:s18] =	ssyncadd.s32 $0xFFFFFF38  }
.LBB2_2:
0x5e: {  	[tilespmem:s22], [sflag:$0x2] =	stream.indirect.gather [hbm4b:s2+s19], $0x80, s21, s19, $0xb8;
	[tilespmem:$0x19200] =	vst v63  }
0x5f: {  	p0 =	sne.s32 s1, $0xBEA;
	s7 =	smov.u32 s1;
	s1 =	sadd.s32 $0x32, s1  }
0x60: {  	_ =	swait.ge [sflag:s23], $0x6400  }
0x61: {  	[sflag:s23] =	ssyncset.done $0x0  }
0x62: {  	[sflag:s23] =	ssyncadd.s32 $0xFFFF9C00  }
0x63: {  	_ =	swait.ge [sflag:s25], $0xC80  }
0x64: {  	[sflag:s25] =	ssyncset.done $0x0  }
0x65: {  	[sflag:s25] =	ssyncadd.s32 $0xFFFFF380  }
0x66: {  	[spmem:s6] =	stream.linear.scatter [tilespmem:s20], [sflag:$0x5], $0x6400, $0x38;
	[tilespmem:$0x19200] =	vst v63  }
0x67: {  	_ =	swait.ge [sflag:s18], $0x6400  }
0x68: {  	[sflag:s18] =	ssyncset.done $0x0  }
0x69: {  	s8 =	sadd.s32 $0xFFFFF380, s5;
	s4 =	sadd.s32 s7, s17;
	[sflag:s18] =	ssyncadd.s32 $0xFFFF9C00  }
0x6a: {  	[hbm:s8], [sflag:s29] =	dma.local [spmem:s30], $0xC80  }
0x6b: {  	[tilespmem:s3], [sflag:$0x5] =	stream.linear.gather [hbm4b:s4+s3], $0xC8, $0x38;
	[tilespmem:$0x19200] =	vst v63  }
0x6c: {  	_ =	swait.ge [sflag:s18], $0xC8  }
0x6d: {  	[sflag:s18] =	ssyncset.done $0x0  }
0x6e: {  	[sflag:s18] =	ssyncadd.s32 $0xFFFFFF38  }
0x6f: {  	[tilespmem:s20], [sflag:$0x1] =	stream.indirect.gather [hbm4b:s2+s19], $0x80, s3, s19, $0xb8;
	[tilespmem:$0x19200] =	vst v63  }
0x70: {  	_ =	swait.ge [sflag:s24], $0x6400  }
0x71: {  	[sflag:s24] =	ssyncset.done $0x0  }
0x72: {  	[sflag:s24] =	ssyncadd.s32 $0xFFFF9C00  }
0x73: {  	_ =	swait.ge [sflag:s26], $0xC80  }
0x74: {  	[sflag:s26] =	ssyncset.done $0x0  }
0x75: {  	[sflag:s26] =	ssyncadd.s32 $0xFFFFF380  }
0x76: {  	[spmem:s9] =	stream.linear.scatter [tilespmem:s22], [sflag:$0x5], $0x6400, $0x38;
	[tilespmem:$0x19200] =	vst v63  }
0x77: {  	_ =	swait.ge [sflag:s18], $0x6400  }
0x78: {  	[sflag:s18] =	ssyncset.done $0x0  }
0x79: {  	s4 =	sadd.s32 s7, s15;
	[sflag:s18] =	ssyncadd.s32 $0xFFFF9C00  }
0x7a: {  	[hbm:s5], [sflag:s31] =	dma.local [spmem:s0], $0xC80  }
.Ltmp0:
0x7b: {  	_ = 	snop;
	(pc) =	sbr.rel @p0 .LBB2_2-.Ltmp0, $4  }
0x7c: {  	[tilespmem:s21], [sflag:$0x5] =	stream.linear.gather [hbm4b:s4+s3], $0xC8, $0x38;
	[tilespmem:$0x19200] =	vst v63  }
0x7d: {  	_ =	swait.ge [sflag:s18], $0xC8  }
0x7e: {  	[sflag:s18] =	ssyncset.done $0x0  }
0x7f: {  	s5 =	sadd.s32 $0x1900, s5;
	[sflag:s18] =	ssyncadd.s32 $0xFFFFFF38  }
0x80: {  	[tilespmem:s22], [sflag:$0x2] =	stream.indirect.gather [hbm4b:s2+s19], $0x80, s21, s19, $0xb8;
	[tilespmem:$0x19200] =	vst v63  }
0x81: {  	_ =	swait.ge [sflag:s23], $0x6400  }
0x82: {  	[sflag:s23] =	ssyncset.done $0x0  }
0x83: {  	[sflag:s23] =	ssyncadd.s32 $0xFFFF9C00  }
0x84: {  	_ =	swait.ge [sflag:s25], $0xC80  }
0x85: {  	[sflag:s25] =	ssyncset.done $0x0  }
0x86: {  	[sflag:s25] =	ssyncadd.s32 $0xFFFFF380  }
0x87: {  	[spmem:s6] =	stream.linear.scatter [tilespmem:s20], [sflag:$0x5], $0x6400, $0x38;
	[tilespmem:$0x19200] =	vst v63  }
0x88: {  	_ =	swait.ge [sflag:s18], $0x6400  }
0x89: {  	[sflag:s18] =	ssyncset.done $0x0  }
0x8a: {  	[sflag:s18] =	ssyncadd.s32 $0xFFFF9C00  }
0x8b: {  	[hbm:s12], [sflag:s29] =	dma.local [spmem:s30], $0xC80  }
0x8c: {  	_ =	swait.ge [sflag:s24], $0x6400  }
0x8d: {  	[sflag:s24] =	ssyncset.done $0x0  }
0x8e: {  	[sflag:s24] =	ssyncadd.s32 $0xFFFF9C00  }
0x8f: {  	_ =	swait.ge [sflag:s26], $0xC80  }
0x90: {  	[sflag:s26] =	ssyncset.done $0x0  }
0x91: {  	[sflag:s26] =	ssyncadd.s32 $0xFFFFF380  }
0x92: {  	[spmem:s9] =	stream.linear.scatter [tilespmem:s22], [sflag:$0x5], $0x6400, $0x38;
	[tilespmem:$0x19200] =	vst v63  }
0x93: {  	_ =	swait.ge [sflag:s18], $0x6400  }
0x94: {  	[sflag:s18] =	ssyncset.done $0x0  }
0x95: {  	s28 =	sadd.s32 $0x1, s28;
	[sflag:s18] =	ssyncadd.s32 $0xFFFF9C00  }
0x96: {  	[hbm:s13], [sflag:s31] =	dma.local [spmem:s0], $0xC80  }
0x97: {  	p0 =	sne.s32 s28, s14;
	_ =	swait.ge [sflag:s25], $0xC80  }
.Ltmp1:
0x98: {  	[sflag:s25] =	ssyncset.done $0x0;
	(pc) =	sbr.rel @p0 .LBB2_1-.Ltmp1, $4  }
0x99: {  	[sflag:s25] =	ssyncadd.s32 $0xFFFFF380  }
0x9a: {  	_ =	swait.ge [sflag:s26], $0xC80  }
0x9b: {  	[sflag:s26] =	ssyncset.done $0x0  }
0x9c: {  	[sflag:s26] =	ssyncadd.s32 $0xFFFFF380  }
0x9d: {  	_ =	sfence.sel $0x180000  }
0x9e: {  	[bflag:$0x0] =	sbarrier.arrive $0xFFFF  }
0x9f: {  	_ =	strace $0x90000047  }
0xa0: {  	s0 =	stileid.u32;
	[bflag:$0x2] =	sbarrier.arrive $0xFFFF  }
0xa1: {  	p0 =	sne.s32 s0, $0x0;
	s0 =	rddreg [dreg:$0x4]  }
0xa2: {  	s0 =	sadd.s32 @!p0 $0x100000, s0  }
0xa3: {  	[sflag:s0] =	ssyncadd.tile.s32 @!p0 $0x1;
	_ =	shalt  }
.Lfunc_end2:
_tile_overlayer_lowered:
.L_overlay_start_2:
0xa4: {  	(tag) =	ssettag $0x2  }
0xa5: {  	s0 =	rddreg [dreg:$0x0];
	s2 =	stileid.u32  }
0xa6: {  	s1 =	rddreg [dreg:$0x1];
	p0 =	sne.s32 s2, $0x0  }
0xa7: {  	s3 =	rddreg [dreg:$0x2];
	[bflag:$0x3] =	sbarrier.arrive $0xFFFF;
	s2 =	simm.s32 @!p0 $0x1C05  }
0xa8: {  	[timem:s3], [sflag:s2] =	dma.local @!p0 [hbm:s0], s1  }
0xa9: {  	s0 =	simm.s32 @!p0 $0x5  }
0xaa: {  	_ =	swait.ge @!p0 [sflag:s0], s1  }
0xab: {  	s1 =	ssub.s32 @!p0 $0x0, s1;
	[sflag:s0] =	ssyncset.done @!p0 $0x0  }
0xac: {  	[sflag:s0] =	ssyncadd.s32 @!p0 s1  }
0xad: {  	[bflag:$0x3] =	sbarrier.arrive $0xFFFF  }
0xae: {  	_ =	shalt  }

</sc_bundles>
